<compile_context>
chip_gen: v7x
topology: tpu7x:2x2x1
jax: 0.10.2.dev20260603
libtpu: 0.0.44.dev20260713+nightly
codegen_flags: <defaults>
</compile_context>

<pallas_src>
import functools

import jax
import jax.numpy as jnp
from jax import lax
from jax.experimental import pallas as pl
from jax.experimental.pallas import tpu as pltpu, tpu_sc as plsc

N_ATOMS = 100000
EMB = 128
NROWS = 9

_info = plsc.get_sparse_core_info()
_NC, _NS = _info.num_cores, _info.num_subcores
_NW = _NC * _NS

_CH = 112
_QW = 3128
_Q_LAST = N_ATOMS - (_NW - 1) * _QW
_NFULL = _Q_LAST // _CH
_T_MAIN = _QW - _NFULL * _CH
_T_LAST = _Q_LAST - _NFULL * _CH
_NBUF = 4

_mesh = plsc.VectorSubcoreMesh(core_axis_name="c", subcore_axis_name="s")


@functools.partial(
    pl.kernel,
    mesh=_mesh,
    out_type=jax.ShapeDtypeStruct((N_ATOMS, EMB), jnp.float32),
    scratch_types=[
        pltpu.VMEM_SHARED((NROWS, EMB), jnp.float32),
        pltpu.VMEM((_QW,), jnp.int32),
        [pltpu.VMEM((_CH, EMB), jnp.float32) for _ in range(_NBUF)],
        [pltpu.SemaphoreType.DMA for _ in range(_NBUF)],
        [pltpu.SemaphoreType.DMA for _ in range(_NBUF)],
    ],
)
def _gather_kernel(table_hbm, idx_hbm, out_hbm, tab_sh, idx_v, bufs,
                   gsems, wsems):
    sid = lax.axis_index("s")
    wid = sid * _NC + lax.axis_index("c")
    base = wid * _QW

    @pl.when(sid == 0)
    def _():
        pltpu.sync_copy(table_hbm, tab_sh)

    @pl.when(wid < _NW - 1)
    def _():
        pltpu.sync_copy(idx_hbm.at[pl.ds(base, _QW)], idx_v)

    @pl.when(wid == _NW - 1)
    def _():
        pltpu.sync_copy(idx_hbm.at[pl.ds(base, _Q_LAST)],
                        idx_v.at[pl.ds(0, _Q_LAST)])

    plsc.subcore_barrier()

    def gather(k, b):
        return pltpu.async_copy(
            tab_sh.at[idx_v.at[pl.ds(k * _CH, _CH)]], bufs[b], gsems[b])

    gathers = [None] * _NFULL
    writes = [None] * _NFULL
    for j in range(_NBUF - 1):
        gathers[j] = gather(j, j)
    for k in range(_NFULL):
        b = k % _NBUF
        pre = k + _NBUF - 1
        if pre < _NFULL:
            if k > 0:
                writes[k - 1].wait()
            gathers[pre] = gather(pre, pre % _NBUF)
        gathers[k].wait()
        writes[k] = pltpu.async_copy(
            bufs[b], out_hbm.at[pl.ds(base + k * _CH, _CH)], wsems[b])
    for k in range(_NFULL - _NBUF, _NFULL):
        writes[k].wait()

    tail_off = _NFULL * _CH

    @pl.when(wid < _NW - 1)
    def _():
        tb = bufs[0].at[pl.ds(0, _T_MAIN)]
        pltpu.async_copy(
            tab_sh.at[idx_v.at[pl.ds(tail_off, _T_MAIN)]],
            tb, gsems[0]).wait()
        pltpu.sync_copy(tb, out_hbm.at[pl.ds(base + tail_off, _T_MAIN)])

    @pl.when(wid == _NW - 1)
    def _():
        tb = bufs[1].at[pl.ds(0, _T_LAST)]
        pltpu.async_copy(
            tab_sh.at[idx_v.at[pl.ds(tail_off, _T_LAST)]],
            tb, gsems[1]).wait()
        pltpu.sync_copy(tb, out_hbm.at[pl.ds(base + tail_off, _T_LAST)])


def kernel(C, table):
    return _gather_kernel(table.astype(jnp.float32), C.astype(jnp.int32))

# --- scband reference (transcript-rebuilt; emitter-appended) ---
"""Pipeline reference for scband-charge-embedding-72103910966014 (READ-ONLY COPY).

The authoritative reference and input builder live on the scoring server;
editing this copy changes nothing except your own understanding.
"""

import jax, jax.numpy as jnp
import numpy as np

N_ATOMS = 100000
EMB_SIZE = 128
MIN_CHARGE = 0
MAX_CHARGE = 8
NUM_EMB = MAX_CHARGE - MIN_CHARGE + 1  # 9, with_mask_type=False


def setup_inputs(seed: int = 0) -> dict:
    key = jax.random.key(seed)
    k_c, k_w = jax.random.split(key)
    C = jax.random.randint(k_c, (N_ATOMS,), 0, NUM_EMB, dtype=jnp.int64 if jax.config.jax_enable_x64 else jnp.int32)
    # Embedding weight initialized uniform in [-sqrt(3), sqrt(3)] per module init
    table = jax.random.uniform(k_w, (NUM_EMB, EMB_SIZE), dtype=jnp.float32,
                               minval=-np.sqrt(3), maxval=np.sqrt(3))
    return {"C": C, "table": table}


def reference(C, table):
    # h = embeddings(C - min_charge); min_charge = 0
    idx = C - MIN_CHARGE
    h = jnp.take(table, idx, axis=0)
    return h

if __name__ == "__main__":
    import jax
    _d = setup_inputs()
    print(jax.jit(kernel)(*tuple(_d.values())))

</pallas_src>

<mosaic_0001>
#map = affine_map<(d0, d1) -> (0, 0)>
#map1 = affine_map<(d0, d1) -> (0)>
module attributes {stable_mosaic.version = 14 : i64} {
  func.func @_gather_kernel(%arg0: i32, %arg1: i32, %arg2: memref<9x128xf32, #tpu.memory_space<hbm>>, %arg3: memref<100000xi32, #tpu.memory_space<hbm>>, %arg4: memref<100000x128xf32, #tpu.memory_space<hbm>>, %arg5: memref<9x128xf32, #tpu.memory_space<vmem_shared>>, %arg6: memref<3128xi32, #tpu.memory_space<vmem>>, %arg7: memref<112x128xf32, #tpu.memory_space<vmem>>, %arg8: memref<112x128xf32, #tpu.memory_space<vmem>>, %arg9: memref<112x128xf32, #tpu.memory_space<vmem>>, %arg10: memref<112x128xf32, #tpu.memory_space<vmem>>, %arg11: memref<!tpu.dma_semaphore, #tpu.memory_space<semaphore_mem>>, %arg12: memref<!tpu.dma_semaphore, #tpu.memory_space<semaphore_mem>>, %arg13: memref<!tpu.dma_semaphore, #tpu.memory_space<semaphore_mem>>, %arg14: memref<!tpu.dma_semaphore, #tpu.memory_space<semaphore_mem>>, %arg15: memref<!tpu.dma_semaphore, #tpu.memory_space<semaphore_mem>>, %arg16: memref<!tpu.dma_semaphore, #tpu.memory_space<semaphore_mem>>, %arg17: memref<!tpu.dma_semaphore, #tpu.memory_space<semaphore_mem>>, %arg18: memref<!tpu.dma_semaphore, #tpu.memory_space<semaphore_mem>>) attributes {dimension_semantics = [#tpu.dimension_semantics<core_parallel>, #tpu.dimension_semantics<subcore_parallel>], iteration_bounds = array<i64: 2, 16>, scalar_prefetch = 0 : i64, scratch_operands = 14 : i64, tpu.core_type = #tpu.core_type<sc_vector_subcore>, window_params = [{transform_indices = #map}, {transform_indices = #map1}, {transform_indices = #map}]} {
    %mul3A = arith.constant 2 : i32
    %mul3A_0 = arith.muli %arg1, %mul3A : i32
    %add3A = arith.addi %mul3A_0, %arg0 : i32
    %mul3A_1 = arith.constant 3128 : i32
    %mul3A_2 = arith.muli %add3A, %mul3A_1 : i32
    %eq3A = arith.constant 0 : i32
    %eq3A_3 = arith.cmpi eq, %arg1, %eq3A : i32
    %convert_element_type3A = arith.extui %eq3A_3 : i1 to i32
    %cond3A = arith.constant 0 : i32
    %cond3A_4 = arith.cmpi ne, %convert_element_type3A, %cond3A : i32
    scf.if %cond3A_4 {
      "tpu.region"() ({
        %run_scoped3A = tpu.sem_alloc : memref<!tpu.dma_semaphore, #tpu.memory_space<semaphore_mem>>
        tpu.enqueue_dma source(%arg2 : memref<9x128xf32, #tpu.memory_space<hbm>>) target(%arg5 : memref<9x128xf32, #tpu.memory_space<vmem_shared>>) target_semaphore(%run_scoped3A : memref<!tpu.dma_semaphore, #tpu.memory_space<semaphore_mem>>)
        tpu.wait_dma2 semaphore(%run_scoped3A : memref<!tpu.dma_semaphore, #tpu.memory_space<semaphore_mem>>) src(%arg2 : memref<9x128xf32, #tpu.memory_space<hbm>>) dst(%arg5 : memref<9x128xf32, #tpu.memory_space<vmem_shared>>)
        tpu.yield
      }) : () -> ()
    } else {
    }
    %lt3A = arith.constant 31 : i32
    %lt3A_5 = arith.cmpi slt, %add3A, %lt3A : i32
    %convert_element_type3A_6 = arith.extui %lt3A_5 : i1 to i32
    %cond3A_7 = arith.constant 0 : i32
    %cond3A_8 = arith.cmpi ne, %convert_element_type3A_6, %cond3A_7 : i32
    scf.if %cond3A_8 {
      "tpu.region"() ({
        %run_scoped3A = tpu.sem_alloc : memref<!tpu.dma_semaphore, #tpu.memory_space<semaphore_mem>>
        %dma_start3A_562 = tpu.memref_slice %arg3[%mul3A_2] : memref<100000xi32, #tpu.memory_space<hbm>> -> memref<3128xi32, #tpu.memory_space<hbm>>
        %dma_start3A_563 = tpu.memref_slice %arg3[%mul3A_2] : memref<100000xi32, #tpu.memory_space<hbm>> -> memref<3128xi32, #tpu.memory_space<hbm>>
        tpu.enqueue_dma source(%dma_start3A_563 : memref<3128xi32, #tpu.memory_space<hbm>>) target(%arg6 : memref<3128xi32, #tpu.memory_space<vmem>>) target_semaphore(%run_scoped3A : memref<!tpu.dma_semaphore, #tpu.memory_space<semaphore_mem>>)
        %dma_wait3A_564 = tpu.memref_slice %arg3[%mul3A_2] : memref<100000xi32, #tpu.memory_space<hbm>> -> memref<3128xi32, #tpu.memory_space<hbm>>
        %dma_wait3A_565 = tpu.memref_slice %arg3[%mul3A_2] : memref<100000xi32, #tpu.memory_space<hbm>> -> memref<3128xi32, #tpu.memory_space<hbm>>
        tpu.wait_dma2 semaphore(%run_scoped3A : memref<!tpu.dma_semaphore, #tpu.memory_space<semaphore_mem>>) src(%dma_wait3A_565 : memref<3128xi32, #tpu.memory_space<hbm>>) dst(%arg6 : memref<3128xi32, #tpu.memory_space<vmem>>)
        tpu.yield
      }) : () -> ()
    } else {
    }
    %eq3A_9 = arith.constant 31 : i32
    %eq3A_10 = arith.cmpi eq, %add3A, %eq3A_9 : i32
    %convert_element_type3A_11 = arith.extui %eq3A_10 : i1 to i32
    %cond3A_12 = arith.constant 0 : i32
    %cond3A_13 = arith.cmpi ne, %convert_element_type3A_11, %cond3A_12 : i32
    scf.if %cond3A_13 {
      "tpu.region"() ({
        %run_scoped3A = tpu.sem_alloc : memref<!tpu.dma_semaphore, #tpu.memory_space<semaphore_mem>>
        %dma_start3A_562 = arith.constant 0 : i32
        %dma_start3A_563 = tpu.memref_slice %arg6[%dma_start3A_562] : memref<3128xi32, #tpu.memory_space<vmem>> -> memref<3032xi32, #tpu.memory_space<vmem>>
        %dma_start3A_564 = tpu.memref_slice %arg3[%mul3A_2] : memref<100000xi32, #tpu.memory_space<hbm>> -> memref<3032xi32, #tpu.memory_space<hbm>>
        %dma_start3A_565 = arith.constant 0 : i32
        %dma_start3A_566 = tpu.memref_slice %arg6[%dma_start3A_565] : memref<3128xi32, #tpu.memory_space<vmem>> -> memref<3032xi32, #tpu.memory_space<vmem>>
        %dma_start3A_567 = tpu.memref_slice %arg3[%mul3A_2] : memref<100000xi32, #tpu.memory_space<hbm>> -> memref<3032xi32, #tpu.memory_space<hbm>>
        tpu.enqueue_dma source(%dma_start3A_567 : memref<3032xi32, #tpu.memory_space<hbm>>) target(%dma_start3A_566 : memref<3032xi32, #tpu.memory_space<vmem>>) target_semaphore(%run_scoped3A : memref<!tpu.dma_semaphore, #tpu.memory_space<semaphore_mem>>)
        %dma_wait3A_568 = arith.constant 0 : i32
        %dma_wait3A_569 = tpu.memref_slice %arg6[%dma_wait3A_568] : memref<3128xi32, #tpu.memory_space<vmem>> -> memref<3032xi32, #tpu.memory_space<vmem>>
        %dma_wait3A_570 = tpu.memref_slice %arg3[%mul3A_2] : memref<100000xi32, #tpu.memory_space<hbm>> -> memref<3032xi32, #tpu.memory_space<hbm>>
        %dma_wait3A_571 = arith.constant 0 : i32
        %dma_wait3A_572 = tpu.memref_slice %arg6[%dma_wait3A_571] : memref<3128xi32, #tpu.memory_space<vmem>> -> memref<3032xi32, #tpu.memory_space<vmem>>
        %dma_wait3A_573 = tpu.memref_slice %arg3[%mul3A_2] : memref<100000xi32, #tpu.memory_space<hbm>> -> memref<3032xi32, #tpu.memory_space<hbm>>
        tpu.wait_dma2 semaphore(%run_scoped3A : memref<!tpu.dma_semaphore, #tpu.memory_space<semaphore_mem>>) src(%dma_wait3A_573 : memref<3032xi32, #tpu.memory_space<hbm>>) dst(%dma_wait3A_572 : memref<3032xi32, #tpu.memory_space<vmem>>)
        tpu.yield
      }) : () -> ()
    } else {
    }
    %barrier3A = arith.constant 0 : index
    tpu.barrier barrier_id(%barrier3A)
    %dma_start3A = arith.constant 0 : i32
    %dma_start3A_14 = tpu.memref_slice %arg6[%dma_start3A] : memref<3128xi32, #tpu.memory_space<vmem>> -> memref<112xi32, #tpu.memory_space<vmem>>
    %dma_start3A_15 = arith.constant 0 : i32
    %dma_start3A_16 = arith.constant 0 : i32
    %dma_start3A_17 = tpu.memref_slice %arg5[%dma_start3A_15, %dma_start3A_16] : memref<9x128xf32, #tpu.memory_space<vmem_shared>> -> memref<9x128xf32, #tpu.memory_space<vmem_shared>>
    tpu.enqueue_indirect_dma source(%dma_start3A_17 : memref<9x128xf32, #tpu.memory_space<vmem_shared>>) target(%arg7 : memref<112x128xf32, #tpu.memory_space<vmem>>) offsets(%dma_start3A_14 : memref<112xi32, #tpu.memory_space<vmem>>) semaphore(%arg11 : memref<!tpu.dma_semaphore, #tpu.memory_space<semaphore_mem>>)
    %dma_start3A_18 = arith.constant 112 : i32
    %dma_start3A_19 = tpu.memref_slice %arg6[%dma_start3A_18] : memref<3128xi32, #tpu.memory_space<vmem>> -> memref<112xi32, #tpu.memory_space<vmem>>
    %dma_start3A_20 = arith.constant 0 : i32
    %dma_start3A_21 = arith.constant 0 : i32
    %dma_start3A_22 = tpu.memref_slice %arg5[%dma_start3A_20, %dma_start3A_21] : memref<9x128xf32, #tpu.memory_space<vmem_shared>> -> memref<9x128xf32, #tpu.memory_space<vmem_shared>>
    tpu.enqueue_indirect_dma source(%dma_start3A_22 : memref<9x128xf32, #tpu.memory_space<vmem_shared>>) target(%arg8 : memref<112x128xf32, #tpu.memory_space<vmem>>) offsets(%dma_start3A_19 : memref<112xi32, #tpu.memory_space<vmem>>) semaphore(%arg12 : memref<!tpu.dma_semaphore, #tpu.memory_space<semaphore_mem>>)
    %dma_start3A_23 = arith.constant 224 : i32
    %dma_start3A_24 = tpu.memref_slice %arg6[%dma_start3A_23] : memref<3128xi32, #tpu.memory_space<vmem>> -> memref<112xi32, #tpu.memory_space<vmem>>
    %dma_start3A_25 = arith.constant 0 : i32
    %dma_start3A_26 = arith.constant 0 : i32
    %dma_start3A_27 = tpu.memref_slice %arg5[%dma_start3A_25, %dma_start3A_26] : memref<9x128xf32, #tpu.memory_space<vmem_shared>> -> memref<9x128xf32, #tpu.memory_space<vmem_shared>>
    tpu.enqueue_indirect_dma source(%dma_start3A_27 : memref<9x128xf32, #tpu.memory_space<vmem_shared>>) target(%arg9 : memref<112x128xf32, #tpu.memory_space<vmem>>) offsets(%dma_start3A_24 : memref<112xi32, #tpu.memory_space<vmem>>) semaphore(%arg13 : memref<!tpu.dma_semaphore, #tpu.memory_space<semaphore_mem>>)
    %dma_start3A_28 = arith.constant 336 : i32
    %dma_start3A_29 = tpu.memref_slice %arg6[%dma_start3A_28] : memref<3128xi32, #tpu.memory_space<vmem>> -> memref<112xi32, #tpu.memory_space<vmem>>
    %dma_start3A_30 = arith.constant 0 : i32
    %dma_start3A_31 = arith.constant 0 : i32
    %dma_start3A_32 = tpu.memref_slice %arg5[%dma_start3A_30, %dma_start3A_31] : memref<9x128xf32, #tpu.memory_space<vmem_shared>> -> memref<9x128xf32, #tpu.memory_space<vmem_shared>>
    tpu.enqueue_indirect_dma source(%dma_start3A_32 : memref<9x128xf32, #tpu.memory_space<vmem_shared>>) target(%arg10 : memref<112x128xf32, #tpu.memory_space<vmem>>) offsets(%dma_start3A_29 : memref<112xi32, #tpu.memory_space<vmem>>) semaphore(%arg14 : memref<!tpu.dma_semaphore, #tpu.memory_space<semaphore_mem>>)
    %dma_wait3A = arith.constant 0 : i32
    %dma_wait3A_33 = tpu.memref_slice %arg6[%dma_wait3A] : memref<3128xi32, #tpu.memory_space<vmem>> -> memref<112xi32, #tpu.memory_space<vmem>>
    %dma_wait3A_34 = arith.constant 0 : i32
    %dma_wait3A_35 = arith.constant 0 : i32
    %dma_wait3A_36 = tpu.memref_slice %arg5[%dma_wait3A_34, %dma_wait3A_35] : memref<9x128xf32, #tpu.memory_space<vmem_shared>> -> memref<9x128xf32, #tpu.memory_space<vmem_shared>>
    tpu.wait_indirect_dma semaphore(%arg11 : memref<!tpu.dma_semaphore, #tpu.memory_space<semaphore_mem>>) src(%dma_wait3A_36 : memref<9x128xf32, #tpu.memory_space<vmem_shared>>) dst(%arg7 : memref<112x128xf32, #tpu.memory_space<vmem>>)
    %add3A_37 = arith.constant 0 : i32
    %add3A_38 = arith.addi %mul3A_2, %add3A_37 : i32
    %dma_start3A_39 = arith.constant 0 : i32
    %dma_start3A_40 = tpu.memref_slice %arg4[%add3A_38, %dma_start3A_39] : memref<100000x128xf32, #tpu.memory_space<hbm>> -> memref<112x128xf32, #tpu.memory_space<hbm>>
    %dma_start3A_41 = arith.constant 0 : i32
    %dma_start3A_42 = tpu.memref_slice %arg4[%add3A_38, %dma_start3A_41] : memref<100000x128xf32, #tpu.memory_space<hbm>> -> memref<112x128xf32, #tpu.memory_space<hbm>>
    tpu.enqueue_dma source(%arg7 : memref<112x128xf32, #tpu.memory_space<vmem>>) target(%dma_start3A_42 : memref<112x128xf32, #tpu.memory_space<hbm>>) target_semaphore(%arg15 : memref<!tpu.dma_semaphore, #tpu.memory_space<semaphore_mem>>)
    %dma_wait3A_43 = arith.constant 0 : i32
    %dma_wait3A_44 = tpu.memref_slice %arg4[%add3A_38, %dma_wait3A_43] : memref<100000x128xf32, #tpu.memory_space<hbm>> -> memref<112x128xf32, #tpu.memory_space<hbm>>
    %dma_wait3A_45 = arith.constant 0 : i32
    %dma_wait3A_46 = tpu.memref_slice %arg4[%add3A_38, %dma_wait3A_45] : memref<100000x128xf32, #tpu.memory_space<hbm>> -> memref<112x128xf32, #tpu.memory_space<hbm>>
    tpu.wait_dma2 semaphore(%arg15 : memref<!tpu.dma_semaphore, #tpu.memory_space<semaphore_mem>>) src(%arg7 : memref<112x128xf32, #tpu.memory_space<vmem>>) dst(%dma_wait3A_46 : memref<112x128xf32, #tpu.memory_space<hbm>>)
    %dma_start3A_47 = arith.constant 448 : i32
    %dma_start3A_48 = tpu.memref_slice %arg6[%dma_start3A_47] : memref<3128xi32, #tpu.memory_space<vmem>> -> memref<112xi32, #tpu.memory_space<vmem>>
    %dma_start3A_49 = arith.constant 0 : i32
    %dma_start3A_50 = arith.constant 0 : i32
    %dma_start3A_51 = tpu.memref_slice %arg5[%dma_start3A_49, %dma_start3A_50] : memref<9x128xf32, #tpu.memory_space<vmem_shared>> -> memref<9x128xf32, #tpu.memory_space<vmem_shared>>
    tpu.enqueue_indirect_dma source(%dma_start3A_51 : memref<9x128xf32, #tpu.memory_space<vmem_shared>>) target(%arg7 : memref<112x128xf32, #tpu.memory_space<vmem>>) offsets(%dma_start3A_48 : memref<112xi32, #tpu.memory_space<vmem>>) semaphore(%arg11 : memref<!tpu.dma_semaphore, #tpu.memory_space<semaphore_mem>>)
    %dma_wait3A_52 = arith.constant 112 : i32
    %dma_wait3A_53 = tpu.memref_slice %arg6[%dma_wait3A_52] : memref<3128xi32, #tpu.memory_space<vmem>> -> memref<112xi32, #tpu.memory_space<vmem>>
    %dma_wait3A_54 = arith.constant 0 : i32
    %dma_wait3A_55 = arith.constant 0 : i32
    %dma_wait3A_56 = tpu.memref_slice %arg5[%dma_wait3A_54, %dma_wait3A_55] : memref<9x128xf32, #tpu.memory_space<vmem_shared>> -> memref<9x128xf32, #tpu.memory_space<vmem_shared>>
    tpu.wait_indirect_dma semaphore(%arg12 : memref<!tpu.dma_semaphore, #tpu.memory_space<semaphore_mem>>) src(%dma_wait3A_56 : memref<9x128xf32, #tpu.memory_space<vmem_shared>>) dst(%arg8 : memref<112x128xf32, #tpu.memory_space<vmem>>)
    %add3A_57 = arith.constant 112 : i32
    %add3A_58 = arith.addi %mul3A_2, %add3A_57 : i32
    %dma_start3A_59 = arith.constant 0 : i32
    %dma_start3A_60 = tpu.memref_slice %arg4[%add3A_58, %dma_start3A_59] : memref<100000x128xf32, #tpu.memory_space<hbm>> -> memref<112x128xf32, #tpu.memory_space<hbm>>
    %dma_start3A_61 = arith.constant 0 : i32
    %dma_start3A_62 = tpu.memref_slice %arg4[%add3A_58, %dma_start3A_61] : memref<100000x128xf32, #tpu.memory_space<hbm>> -> memref<112x128xf32, #tpu.memory_space<hbm>>
    tpu.enqueue_dma source(%arg8 : memref<112x128xf32, #tpu.memory_space<vmem>>) target(%dma_start3A_62 : memref<112x128xf32, #tpu.memory_space<hbm>>) target_semaphore(%arg16 : memref<!tpu.dma_semaphore, #tpu.memory_space<semaphore_mem>>)
    %dma_wait3A_63 = arith.constant 0 : i32
    %dma_wait3A_64 = tpu.memref_slice %arg4[%add3A_58, %dma_wait3A_63] : memref<100000x128xf32, #tpu.memory_space<hbm>> -> memref<112x128xf32, #tpu.memory_space<hbm>>
    %dma_wait3A_65 = arith.constant 0 : i32
    %dma_wait3A_66 = tpu.memref_slice %arg4[%add3A_58, %dma_wait3A_65] : memref<100000x128xf32, #tpu.memory_space<hbm>> -> memref<112x128xf32, #tpu.memory_space<hbm>>
    tpu.wait_dma2 semaphore(%arg16 : memref<!tpu.dma_semaphore, #tpu.memory_space<semaphore_mem>>) src(%arg8 : memref<112x128xf32, #tpu.memory_space<vmem>>) dst(%dma_wait3A_66 : memref<112x128xf32, #tpu.memory_space<hbm>>)
    %dma_start3A_67 = arith.constant 560 : i32
    %dma_start3A_68 = tpu.memref_slice %arg6[%dma_start3A_67] : memref<3128xi32, #tpu.memory_space<vmem>> -> memref<112xi32, #tpu.memory_space<vmem>>
    %dma_start3A_69 = arith.constant 0 : i32
    %dma_start3A_70 = arith.constant 0 : i32
    %dma_start3A_71 = tpu.memref_slice %arg5[%dma_start3A_69, %dma_start3A_70] : memref<9x128xf32, #tpu.memory_space<vmem_shared>> -> memref<9x128xf32, #tpu.memory_space<vmem_shared>>
    tpu.enqueue_indirect_dma source(%dma_start3A_71 : memref<9x128xf32, #tpu.memory_space<vmem_shared>>) target(%arg8 : memref<112x128xf32, #tpu.memory_space<vmem>>) offsets(%dma_start3A_68 : memref<112xi32, #tpu.memory_space<vmem>>) semaphore(%arg12 : memref<!tpu.dma_semaphore, #tpu.memory_space<semaphore_mem>>)
    %dma_wait3A_72 = arith.constant 224 : i32
    %dma_wait3A_73 = tpu.memref_slice %arg6[%dma_wait3A_72] : memref<3128xi32, #tpu.memory_space<vmem>> -> memref<112xi32, #tpu.memory_space<vmem>>
    %dma_wait3A_74 = arith.constant 0 : i32
    %dma_wait3A_75 = arith.constant 0 : i32
    %dma_wait3A_76 = tpu.memref_slice %arg5[%dma_wait3A_74, %dma_wait3A_75] : memref<9x128xf32, #tpu.memory_space<vmem_shared>> -> memref<9x128xf32, #tpu.memory_space<vmem_shared>>
    tpu.wait_indirect_dma semaphore(%arg13 : memref<!tpu.dma_semaphore, #tpu.memory_space<semaphore_mem>>) src(%dma_wait3A_76 : memref<9x128xf32, #tpu.memory_space<vmem_shared>>) dst(%arg9 : memref<112x128xf32, #tpu.memory_space<vmem>>)
    %add3A_77 = arith.constant 224 : i32
    %add3A_78 = arith.addi %mul3A_2, %add3A_77 : i32
    %dma_start3A_79 = arith.constant 0 : i32
    %dma_start3A_80 = tpu.memref_slice %arg4[%add3A_78, %dma_start3A_79] : memref<100000x128xf32, #tpu.memory_space<hbm>> -> memref<112x128xf32, #tpu.memory_space<hbm>>
    %dma_start3A_81 = arith.constant 0 : i32
    %dma_start3A_82 = tpu.memref_slice %arg4[%add3A_78, %dma_start3A_81] : memref<100000x128xf32, #tpu.memory_space<hbm>> -> memref<112x128xf32, #tpu.memory_space<hbm>>
    tpu.enqueue_dma source(%arg9 : memref<112x128xf32, #tpu.memory_space<vmem>>) target(%dma_start3A_82 : memref<112x128xf32, #tpu.memory_space<hbm>>) target_semaphore(%arg17 : memref<!tpu.dma_semaphore, #tpu.memory_space<semaphore_mem>>)
    %dma_wait3A_83 = arith.constant 0 : i32
    %dma_wait3A_84 = tpu.memref_slice %arg4[%add3A_78, %dma_wait3A_83] : memref<100000x128xf32, #tpu.memory_space<hbm>> -> memref<112x128xf32, #tpu.memory_space<hbm>>
    %dma_wait3A_85 = arith.constant 0 : i32
    %dma_wait3A_86 = tpu.memref_slice %arg4[%add3A_78, %dma_wait3A_85] : memref<100000x128xf32, #tpu.memory_space<hbm>> -> memref<112x128xf32, #tpu.memory_space<hbm>>
    tpu.wait_dma2 semaphore(%arg17 : memref<!tpu.dma_semaphore, #tpu.memory_space<semaphore_mem>>) src(%arg9 : memref<112x128xf32, #tpu.memory_space<vmem>>) dst(%dma_wait3A_86 : memref<112x128xf32, #tpu.memory_space<hbm>>)
    %dma_start3A_87 = arith.constant 672 : i32
    %dma_start3A_88 = tpu.memref_slice %arg6[%dma_start3A_87] : memref<3128xi32, #tpu.memory_space<vmem>> -> memref<112xi32, #tpu.memory_space<vmem>>
    %dma_start3A_89 = arith.constant 0 : i32
    %dma_start3A_90 = arith.constant 0 : i32
    %dma_start3A_91 = tpu.memref_slice %arg5[%dma_start3A_89, %dma_start3A_90] : memref<9x128xf32, #tpu.memory_space<vmem_shared>> -> memref<9x128xf32, #tpu.memory_space<vmem_shared>>
    tpu.enqueue_indirect_dma source(%dma_start3A_91 : memref<9x128xf32, #tpu.memory_space<vmem_shared>>) target(%arg9 : memref<112x128xf32, #tpu.memory_space<vmem>>) offsets(%dma_start3A_88 : memref<112xi32, #tpu.memory_space<vmem>>) semaphore(%arg13 : memref<!tpu.dma_semaphore, #tpu.memory_space<semaphore_mem>>)
    %dma_wait3A_92 = arith.constant 336 : i32
    %dma_wait3A_93 = tpu.memref_slice %arg6[%dma_wait3A_92] : memref<3128xi32, #tpu.memory_space<vmem>> -> memref<112xi32, #tpu.memory_space<vmem>>
    %dma_wait3A_94 = arith.constant 0 : i32
    %dma_wait3A_95 = arith.constant 0 : i32
    %dma_wait3A_96 = tpu.memref_slice %arg5[%dma_wait3A_94, %dma_wait3A_95] : memref<9x128xf32, #tpu.memory_space<vmem_shared>> -> memref<9x128xf32, #tpu.memory_space<vmem_shared>>
    tpu.wait_indirect_dma semaphore(%arg14 : memref<!tpu.dma_semaphore, #tpu.memory_space<semaphore_mem>>) src(%dma_wait3A_96 : memref<9x128xf32, #tpu.memory_space<vmem_shared>>) dst(%arg10 : memref<112x128xf32, #tpu.memory_space<vmem>>)
    %add3A_97 = arith.constant 336 : i32
    %add3A_98 = arith.addi %mul3A_2, %add3A_97 : i32
    %dma_start3A_99 = arith.constant 0 : i32
    %dma_start3A_100 = tpu.memref_slice %arg4[%add3A_98, %dma_start3A_99] : memref<100000x128xf32, #tpu.memory_space<hbm>> -> memref<112x128xf32, #tpu.memory_space<hbm>>
    %dma_start3A_101 = arith.constant 0 : i32
    %dma_start3A_102 = tpu.memref_slice %arg4[%add3A_98, %dma_start3A_101] : memref<100000x128xf32, #tpu.memory_space<hbm>> -> memref<112x128xf32, #tpu.memory_space<hbm>>
    tpu.enqueue_dma source(%arg10 : memref<112x128xf32, #tpu.memory_space<vmem>>) target(%dma_start3A_102 : memref<112x128xf32, #tpu.memory_space<hbm>>) target_semaphore(%arg18 : memref<!tpu.dma_semaphore, #tpu.memory_space<semaphore_mem>>)
    %dma_wait3A_103 = arith.constant 0 : i32
    %dma_wait3A_104 = tpu.memref_slice %arg4[%add3A_98, %dma_wait3A_103] : memref<100000x128xf32, #tpu.memory_space<hbm>> -> memref<112x128xf32, #tpu.memory_space<hbm>>
    %dma_wait3A_105 = arith.constant 0 : i32
    %dma_wait3A_106 = tpu.memref_slice %arg4[%add3A_98, %dma_wait3A_105] : memref<100000x128xf32, #tpu.memory_space<hbm>> -> memref<112x128xf32, #tpu.memory_space<hbm>>
    tpu.wait_dma2 semaphore(%arg18 : memref<!tpu.dma_semaphore, #tpu.memory_space<semaphore_mem>>) src(%arg10 : memref<112x128xf32, #tpu.memory_space<vmem>>) dst(%dma_wait3A_106 : memref<112x128xf32, #tpu.memory_space<hbm>>)
    %dma_start3A_107 = arith.constant 784 : i32
    %dma_start3A_108 = tpu.memref_slice %arg6[%dma_start3A_107] : memref<3128xi32, #tpu.memory_space<vmem>> -> memref<112xi32, #tpu.memory_space<vmem>>
    %dma_start3A_109 = arith.constant 0 : i32
    %dma_start3A_110 = arith.constant 0 : i32
    %dma_start3A_111 = tpu.memref_slice %arg5[%dma_start3A_109, %dma_start3A_110] : memref<9x128xf32, #tpu.memory_space<vmem_shared>> -> memref<9x128xf32, #tpu.memory_space<vmem_shared>>
    tpu.enqueue_indirect_dma source(%dma_start3A_111 : memref<9x128xf32, #tpu.memory_space<vmem_shared>>) target(%arg10 : memref<112x128xf32, #tpu.memory_space<vmem>>) offsets(%dma_start3A_108 : memref<112xi32, #tpu.memory_space<vmem>>) semaphore(%arg14 : memref<!tpu.dma_semaphore, #tpu.memory_space<semaphore_mem>>)
    %dma_wait3A_112 = arith.constant 448 : i32
    %dma_wait3A_113 = tpu.memref_slice %arg6[%dma_wait3A_112] : memref<3128xi32, #tpu.memory_space<vmem>> -> memref<112xi32, #tpu.memory_space<vmem>>
    %dma_wait3A_114 = arith.constant 0 : i32
    %dma_wait3A_115 = arith.constant 0 : i32
    %dma_wait3A_116 = tpu.memref_slice %arg5[%dma_wait3A_114, %dma_wait3A_115] : memref<9x128xf32, #tpu.memory_space<vmem_shared>> -> memref<9x128xf32, #tpu.memory_space<vmem_shared>>
    tpu.wait_indirect_dma semaphore(%arg11 : memref<!tpu.dma_semaphore, #tpu.memory_space<semaphore_mem>>) src(%dma_wait3A_116 : memref<9x128xf32, #tpu.memory_space<vmem_shared>>) dst(%arg7 : memref<112x128xf32, #tpu.memory_space<vmem>>)
    %add3A_117 = arith.constant 448 : i32
    %add3A_118 = arith.addi %mul3A_2, %add3A_117 : i32
    %dma_start3A_119 = arith.constant 0 : i32
    %dma_start3A_120 = tpu.memref_slice %arg4[%add3A_118, %dma_start3A_119] : memref<100000x128xf32, #tpu.memory_space<hbm>> -> memref<112x128xf32, #tpu.memory_space<hbm>>
    %dma_start3A_121 = arith.constant 0 : i32
    %dma_start3A_122 = tpu.memref_slice %arg4[%add3A_118, %dma_start3A_121] : memref<100000x128xf32, #tpu.memory_space<hbm>> -> memref<112x128xf32, #tpu.memory_space<hbm>>
    tpu.enqueue_dma source(%arg7 : memref<112x128xf32, #tpu.memory_space<vmem>>) target(%dma_start3A_122 : memref<112x128xf32, #tpu.memory_space<hbm>>) target_semaphore(%arg15 : memref<!tpu.dma_semaphore, #tpu.memory_space<semaphore_mem>>)
    %dma_wait3A_123 = arith.constant 0 : i32
    %dma_wait3A_124 = tpu.memref_slice %arg4[%add3A_118, %dma_wait3A_123] : memref<100000x128xf32, #tpu.memory_space<hbm>> -> memref<112x128xf32, #tpu.memory_space<hbm>>
    %dma_wait3A_125 = arith.constant 0 : i32
    %dma_wait3A_126 = tpu.memref_slice %arg4[%add3A_118, %dma_wait3A_125] : memref<100000x128xf32, #tpu.memory_space<hbm>> -> memref<112x128xf32, #tpu.memory_space<hbm>>
    tpu.wait_dma2 semaphore(%arg15 : memref<!tpu.dma_semaphore, #tpu.memory_space<semaphore_mem>>) src(%arg7 : memref<112x128xf32, #tpu.memory_space<vmem>>) dst(%dma_wait3A_126 : memref<112x128xf32, #tpu.memory_space<hbm>>)
    %dma_start3A_127 = arith.constant 896 : i32
    %dma_start3A_128 = tpu.memref_slice %arg6[%dma_start3A_127] : memref<3128xi32, #tpu.memory_space<vmem>> -> memref<112xi32, #tpu.memory_space<vmem>>
    %dma_start3A_129 = arith.constant 0 : i32
    %dma_start3A_130 = arith.constant 0 : i32
    %dma_start3A_131 = tpu.memref_slice %arg5[%dma_start3A_129, %dma_start3A_130] : memref<9x128xf32, #tpu.memory_space<vmem_shared>> -> memref<9x128xf32, #tpu.memory_space<vmem_shared>>
    tpu.enqueue_indirect_dma source(%dma_start3A_131 : memref<9x128xf32, #tpu.memory_space<vmem_shared>>) target(%arg7 : memref<112x128xf32, #tpu.memory_space<vmem>>) offsets(%dma_start3A_128 : memref<112xi32, #tpu.memory_space<vmem>>) semaphore(%arg11 : memref<!tpu.dma_semaphore, #tpu.memory_space<semaphore_mem>>)
    %dma_wait3A_132 = arith.constant 560 : i32
    %dma_wait3A_133 = tpu.memref_slice %arg6[%dma_wait3A_132] : memref<3128xi32, #tpu.memory_space<vmem>> -> memref<112xi32, #tpu.memory_space<vmem>>
    %dma_wait3A_134 = arith.constant 0 : i32
    %dma_wait3A_135 = arith.constant 0 : i32
    %dma_wait3A_136 = tpu.memref_slice %arg5[%dma_wait3A_134, %dma_wait3A_135] : memref<9x128xf32, #tpu.memory_space<vmem_shared>> -> memref<9x128xf32, #tpu.memory_space<vmem_shared>>
    tpu.wait_indirect_dma semaphore(%arg12 : memref<!tpu.dma_semaphore, #tpu.memory_space<semaphore_mem>>) src(%dma_wait3A_136 : memref<9x128xf32, #tpu.memory_space<vmem_shared>>) dst(%arg8 : memref<112x128xf32, #tpu.memory_space<vmem>>)
    %add3A_137 = arith.constant 560 : i32
    %add3A_138 = arith.addi %mul3A_2, %add3A_137 : i32
    %dma_start3A_139 = arith.constant 0 : i32
    %dma_start3A_140 = tpu.memref_slice %arg4[%add3A_138, %dma_start3A_139] : memref<100000x128xf32, #tpu.memory_space<hbm>> -> memref<112x128xf32, #tpu.memory_space<hbm>>
    %dma_start3A_141 = arith.constant 0 : i32
    %dma_start3A_142 = tpu.memref_slice %arg4[%add3A_138, %dma_start3A_141] : memref<100000x128xf32, #tpu.memory_space<hbm>> -> memref<112x128xf32, #tpu.memory_space<hbm>>
    tpu.enqueue_dma source(%arg8 : memref<112x128xf32, #tpu.memory_space<vmem>>) target(%dma_start3A_142 : memref<112x128xf32, #tpu.memory_space<hbm>>) target_semaphore(%arg16 : memref<!tpu.dma_semaphore, #tpu.memory_space<semaphore_mem>>)
    %dma_wait3A_143 = arith.constant 0 : i32
    %dma_wait3A_144 = tpu.memref_slice %arg4[%add3A_138, %dma_wait3A_143] : memref<100000x128xf32, #tpu.memory_space<hbm>> -> memref<112x128xf32, #tpu.memory_space<hbm>>
    %dma_wait3A_145 = arith.constant 0 : i32
    %dma_wait3A_146 = tpu.memref_slice %arg4[%add3A_138, %dma_wait3A_145] : memref<100000x128xf32, #tpu.memory_space<hbm>> -> memref<112x128xf32, #tpu.memory_space<hbm>>
    tpu.wait_dma2 semaphore(%arg16 : memref<!tpu.dma_semaphore, #tpu.memory_space<semaphore_mem>>) src(%arg8 : memref<112x128xf32, #tpu.memory_space<vmem>>) dst(%dma_wait3A_146 : memref<112x128xf32, #tpu.memory_space<hbm>>)
    %dma_start3A_147 = arith.constant 1008 : i32
    %dma_start3A_148 = tpu.memref_slice %arg6[%dma_start3A_147] : memref<3128xi32, #tpu.memory_space<vmem>> -> memref<112xi32, #tpu.memory_space<vmem>>
    %dma_start3A_149 = arith.constant 0 : i32
    %dma_start3A_150 = arith.constant 0 : i32
    %dma_start3A_151 = tpu.memref_slice %arg5[%dma_start3A_149, %dma_start3A_150] : memref<9x128xf32, #tpu.memory_space<vmem_shared>> -> memref<9x128xf32, #tpu.memory_space<vmem_shared>>
    tpu.enqueue_indirect_dma source(%dma_start3A_151 : memref<9x128xf32, #tpu.memory_space<vmem_shared>>) target(%arg8 : memref<112x128xf32, #tpu.memory_space<vmem>>) offsets(%dma_start3A_148 : memref<112xi32, #tpu.memory_space<vmem>>) semaphore(%arg12 : memref<!tpu.dma_semaphore, #tpu.memory_space<semaphore_mem>>)
    %dma_wait3A_152 = arith.constant 672 : i32
    %dma_wait3A_153 = tpu.memref_slice %arg6[%dma_wait3A_152] : memref<3128xi32, #tpu.memory_space<vmem>> -> memref<112xi32, #tpu.memory_space<vmem>>
    %dma_wait3A_154 = arith.constant 0 : i32
    %dma_wait3A_155 = arith.constant 0 : i32
    %dma_wait3A_156 = tpu.memref_slice %arg5[%dma_wait3A_154, %dma_wait3A_155] : memref<9x128xf32, #tpu.memory_space<vmem_shared>> -> memref<9x128xf32, #tpu.memory_space<vmem_shared>>
    tpu.wait_indirect_dma semaphore(%arg13 : memref<!tpu.dma_semaphore, #tpu.memory_space<semaphore_mem>>) src(%dma_wait3A_156 : memref<9x128xf32, #tpu.memory_space<vmem_shared>>) dst(%arg9 : memref<112x128xf32, #tpu.memory_space<vmem>>)
    %add3A_157 = arith.constant 672 : i32
    %add3A_158 = arith.addi %mul3A_2, %add3A_157 : i32
    %dma_start3A_159 = arith.constant 0 : i32
    %dma_start3A_160 = tpu.memref_slice %arg4[%add3A_158, %dma_start3A_159] : memref<100000x128xf32, #tpu.memory_space<hbm>> -> memref<112x128xf32, #tpu.memory_space<hbm>>
    %dma_start3A_161 = arith.constant 0 : i32
    %dma_start3A_162 = tpu.memref_slice %arg4[%add3A_158, %dma_start3A_161] : memref<100000x128xf32, #tpu.memory_space<hbm>> -> memref<112x128xf32, #tpu.memory_space<hbm>>
    tpu.enqueue_dma source(%arg9 : memref<112x128xf32, #tpu.memory_space<vmem>>) target(%dma_start3A_162 : memref<112x128xf32, #tpu.memory_space<hbm>>) target_semaphore(%arg17 : memref<!tpu.dma_semaphore, #tpu.memory_space<semaphore_mem>>)
    %dma_wait3A_163 = arith.constant 0 : i32
    %dma_wait3A_164 = tpu.memref_slice %arg4[%add3A_158, %dma_wait3A_163] : memref<100000x128xf32, #tpu.memory_space<hbm>> -> memref<112x128xf32, #tpu.memory_space<hbm>>
    %dma_wait3A_165 = arith.constant 0 : i32
    %dma_wait3A_166 = tpu.memref_slice %arg4[%add3A_158, %dma_wait3A_165] : memref<100000x128xf32, #tpu.memory_space<hbm>> -> memref<112x128xf32, #tpu.memory_space<hbm>>
    tpu.wait_dma2 semaphore(%arg17 : memref<!tpu.dma_semaphore, #tpu.memory_space<semaphore_mem>>) src(%arg9 : memref<112x128xf32, #tpu.memory_space<vmem>>) dst(%dma_wait3A_166 : memref<112x128xf32, #tpu.memory_space<hbm>>)
    %dma_start3A_167 = arith.constant 1120 : i32
    %dma_start3A_168 = tpu.memref_slice %arg6[%dma_start3A_167] : memref<3128xi32, #tpu.memory_space<vmem>> -> memref<112xi32, #tpu.memory_space<vmem>>
    %dma_start3A_169 = arith.constant 0 : i32
    %dma_start3A_170 = arith.constant 0 : i32
    %dma_start3A_171 = tpu.memref_slice %arg5[%dma_start3A_169, %dma_start3A_170] : memref<9x128xf32, #tpu.memory_space<vmem_shared>> -> memref<9x128xf32, #tpu.memory_space<vmem_shared>>
    tpu.enqueue_indirect_dma source(%dma_start3A_171 : memref<9x128xf32, #tpu.memory_space<vmem_shared>>) target(%arg9 : memref<112x128xf32, #tpu.memory_space<vmem>>) offsets(%dma_start3A_168 : memref<112xi32, #tpu.memory_space<vmem>>) semaphore(%arg13 : memref<!tpu.dma_semaphore, #tpu.memory_space<semaphore_mem>>)
    %dma_wait3A_172 = arith.constant 784 : i32
    %dma_wait3A_173 = tpu.memref_slice %arg6[%dma_wait3A_172] : memref<3128xi32, #tpu.memory_space<vmem>> -> memref<112xi32, #tpu.memory_space<vmem>>
    %dma_wait3A_174 = arith.constant 0 : i32
    %dma_wait3A_175 = arith.constant 0 : i32
    %dma_wait3A_176 = tpu.memref_slice %arg5[%dma_wait3A_174, %dma_wait3A_175] : memref<9x128xf32, #tpu.memory_space<vmem_shared>> -> memref<9x128xf32, #tpu.memory_space<vmem_shared>>
    tpu.wait_indirect_dma semaphore(%arg14 : memref<!tpu.dma_semaphore, #tpu.memory_space<semaphore_mem>>) src(%dma_wait3A_176 : memref<9x128xf32, #tpu.memory_space<vmem_shared>>) dst(%arg10 : memref<112x128xf32, #tpu.memory_space<vmem>>)
    %add3A_177 = arith.constant 784 : i32
    %add3A_178 = arith.addi %mul3A_2, %add3A_177 : i32
    %dma_start3A_179 = arith.constant 0 : i32
    %dma_start3A_180 = tpu.memref_slice %arg4[%add3A_178, %dma_start3A_179] : memref<100000x128xf32, #tpu.memory_space<hbm>> -> memref<112x128xf32, #tpu.memory_space<hbm>>
    %dma_start3A_181 = arith.constant 0 : i32
    %dma_start3A_182 = tpu.memref_slice %arg4[%add3A_178, %dma_start3A_181] : memref<100000x128xf32, #tpu.memory_space<hbm>> -> memref<112x128xf32, #tpu.memory_space<hbm>>
    tpu.enqueue_dma source(%arg10 : memref<112x128xf32, #tpu.memory_space<vmem>>) target(%dma_start3A_182 : memref<112x128xf32, #tpu.memory_space<hbm>>) target_semaphore(%arg18 : memref<!tpu.dma_semaphore, #tpu.memory_space<semaphore_mem>>)
    %dma_wait3A_183 = arith.constant 0 : i32
    %dma_wait3A_184 = tpu.memref_slice %arg4[%add3A_178, %dma_wait3A_183] : memref<100000x128xf32, #tpu.memory_space<hbm>> -> memref<112x128xf32, #tpu.memory_space<hbm>>
    %dma_wait3A_185 = arith.constant 0 : i32
    %dma_wait3A_186 = tpu.memref_slice %arg4[%add3A_178, %dma_wait3A_185] : memref<100000x128xf32, #tpu.memory_space<hbm>> -> memref<112x128xf32, #tpu.memory_space<hbm>>
    tpu.wait_dma2 semaphore(%arg18 : memref<!tpu.dma_semaphore, #tpu.memory_space<semaphore_mem>>) src(%arg10 : memref<112x128xf32, #tpu.memory_space<vmem>>) dst(%dma_wait3A_186 : memref<112x128xf32, #tpu.memory_space<hbm>>)
    %dma_start3A_187 = arith.constant 1232 : i32
    %dma_start3A_188 = tpu.memref_slice %arg6[%dma_start3A_187] : memref<3128xi32, #tpu.memory_space<vmem>> -> memref<112xi32, #tpu.memory_space<vmem>>
    %dma_start3A_189 = arith.constant 0 : i32
    %dma_start3A_190 = arith.constant 0 : i32
    %dma_start3A_191 = tpu.memref_slice %arg5[%dma_start3A_189, %dma_start3A_190] : memref<9x128xf32, #tpu.memory_space<vmem_shared>> -> memref<9x128xf32, #tpu.memory_space<vmem_shared>>
    tpu.enqueue_indirect_dma source(%dma_start3A_191 : memref<9x128xf32, #tpu.memory_space<vmem_shared>>) target(%arg10 : memref<112x128xf32, #tpu.memory_space<vmem>>) offsets(%dma_start3A_188 : memref<112xi32, #tpu.memory_space<vmem>>) semaphore(%arg14 : memref<!tpu.dma_semaphore, #tpu.memory_space<semaphore_mem>>)
    %dma_wait3A_192 = arith.constant 896 : i32
    %dma_wait3A_193 = tpu.memref_slice %arg6[%dma_wait3A_192] : memref<3128xi32, #tpu.memory_space<vmem>> -> memref<112xi32, #tpu.memory_space<vmem>>
    %dma_wait3A_194 = arith.constant 0 : i32
    %dma_wait3A_195 = arith.constant 0 : i32
    %dma_wait3A_196 = tpu.memref_slice %arg5[%dma_wait3A_194, %dma_wait3A_195] : memref<9x128xf32, #tpu.memory_space<vmem_shared>> -> memref<9x128xf32, #tpu.memory_space<vmem_shared>>
    tpu.wait_indirect_dma semaphore(%arg11 : memref<!tpu.dma_semaphore, #tpu.memory_space<semaphore_mem>>) src(%dma_wait3A_196 : memref<9x128xf32, #tpu.memory_space<vmem_shared>>) dst(%arg7 : memref<112x128xf32, #tpu.memory_space<vmem>>)
    %add3A_197 = arith.constant 896 : i32
    %add3A_198 = arith.addi %mul3A_2, %add3A_197 : i32
    %dma_start3A_199 = arith.constant 0 : i32
    %dma_start3A_200 = tpu.memref_slice %arg4[%add3A_198, %dma_start3A_199] : memref<100000x128xf32, #tpu.memory_space<hbm>> -> memref<112x128xf32, #tpu.memory_space<hbm>>
    %dma_start3A_201 = arith.constant 0 : i32
    %dma_start3A_202 = tpu.memref_slice %arg4[%add3A_198, %dma_start3A_201] : memref<100000x128xf32, #tpu.memory_space<hbm>> -> memref<112x128xf32, #tpu.memory_space<hbm>>
    tpu.enqueue_dma source(%arg7 : memref<112x128xf32, #tpu.memory_space<vmem>>) target(%dma_start3A_202 : memref<112x128xf32, #tpu.memory_space<hbm>>) target_semaphore(%arg15 : memref<!tpu.dma_semaphore, #tpu.memory_space<semaphore_mem>>)
    %dma_wait3A_203 = arith.constant 0 : i32
    %dma_wait3A_204 = tpu.memref_slice %arg4[%add3A_198, %dma_wait3A_203] : memref<100000x128xf32, #tpu.memory_space<hbm>> -> memref<112x128xf32, #tpu.memory_space<hbm>>
    %dma_wait3A_205 = arith.constant 0 : i32
    %dma_wait3A_206 = tpu.memref_slice %arg4[%add3A_198, %dma_wait3A_205] : memref<100000x128xf32, #tpu.memory_space<hbm>> -> memref<112x128xf32, #tpu.memory_space<hbm>>
    tpu.wait_dma2 semaphore(%arg15 : memref<!tpu.dma_semaphore, #tpu.memory_space<semaphore_mem>>) src(%arg7 : memref<112x128xf32, #tpu.memory_space<vmem>>) dst(%dma_wait3A_206 : memref<112x128xf32, #tpu.memory_space<hbm>>)
    %dma_start3A_207 = arith.constant 1344 : i32
    %dma_start3A_208 = tpu.memref_slice %arg6[%dma_start3A_207] : memref<3128xi32, #tpu.memory_space<vmem>> -> memref<112xi32, #tpu.memory_space<vmem>>
    %dma_start3A_209 = arith.constant 0 : i32
    %dma_start3A_210 = arith.constant 0 : i32
    %dma_start3A_211 = tpu.memref_slice %arg5[%dma_start3A_209, %dma_start3A_210] : memref<9x128xf32, #tpu.memory_space<vmem_shared>> -> memref<9x128xf32, #tpu.memory_space<vmem_shared>>
    tpu.enqueue_indirect_dma source(%dma_start3A_211 : memref<9x128xf32, #tpu.memory_space<vmem_shared>>) target(%arg7 : memref<112x128xf32, #tpu.memory_space<vmem>>) offsets(%dma_start3A_208 : memref<112xi32, #tpu.memory_space<vmem>>) semaphore(%arg11 : memref<!tpu.dma_semaphore, #tpu.memory_space<semaphore_mem>>)
    %dma_wait3A_212 = arith.constant 1008 : i32
    %dma_wait3A_213 = tpu.memref_slice %arg6[%dma_wait3A_212] : memref<3128xi32, #tpu.memory_space<vmem>> -> memref<112xi32, #tpu.memory_space<vmem>>
    %dma_wait3A_214 = arith.constant 0 : i32
    %dma_wait3A_215 = arith.constant 0 : i32
    %dma_wait3A_216 = tpu.memref_slice %arg5[%dma_wait3A_214, %dma_wait3A_215] : memref<9x128xf32, #tpu.memory_space<vmem_shared>> -> memref<9x128xf32, #tpu.memory_space<vmem_shared>>
    tpu.wait_indirect_dma semaphore(%arg12 : memref<!tpu.dma_semaphore, #tpu.memory_space<semaphore_mem>>) src(%dma_wait3A_216 : memref<9x128xf32, #tpu.memory_space<vmem_shared>>) dst(%arg8 : memref<112x128xf32, #tpu.memory_space<vmem>>)
    %add3A_217 = arith.constant 1008 : i32
    %add3A_218 = arith.addi %mul3A_2, %add3A_217 : i32
    %dma_start3A_219 = arith.constant 0 : i32
    %dma_start3A_220 = tpu.memref_slice %arg4[%add3A_218, %dma_start3A_219] : memref<100000x128xf32, #tpu.memory_space<hbm>> -> memref<112x128xf32, #tpu.memory_space<hbm>>
    %dma_start3A_221 = arith.constant 0 : i32
    %dma_start3A_222 = tpu.memref_slice %arg4[%add3A_218, %dma_start3A_221] : memref<100000x128xf32, #tpu.memory_space<hbm>> -> memref<112x128xf32, #tpu.memory_space<hbm>>
    tpu.enqueue_dma source(%arg8 : memref<112x128xf32, #tpu.memory_space<vmem>>) target(%dma_start3A_222 : memref<112x128xf32, #tpu.memory_space<hbm>>) target_semaphore(%arg16 : memref<!tpu.dma_semaphore, #tpu.memory_space<semaphore_mem>>)
    %dma_wait3A_223 = arith.constant 0 : i32
    %dma_wait3A_224 = tpu.memref_slice %arg4[%add3A_218, %dma_wait3A_223] : memref<100000x128xf32, #tpu.memory_space<hbm>> -> memref<112x128xf32, #tpu.memory_space<hbm>>
    %dma_wait3A_225 = arith.constant 0 : i32
    %dma_wait3A_226 = tpu.memref_slice %arg4[%add3A_218, %dma_wait3A_225] : memref<100000x128xf32, #tpu.memory_space<hbm>> -> memref<112x128xf32, #tpu.memory_space<hbm>>
    tpu.wait_dma2 semaphore(%arg16 : memref<!tpu.dma_semaphore, #tpu.memory_space<semaphore_mem>>) src(%arg8 : memref<112x128xf32, #tpu.memory_space<vmem>>) dst(%dma_wait3A_226 : memref<112x128xf32, #tpu.memory_space<hbm>>)
    %dma_start3A_227 = arith.constant 1456 : i32
    %dma_start3A_228 = tpu.memref_slice %arg6[%dma_start3A_227] : memref<3128xi32, #tpu.memory_space<vmem>> -> memref<112xi32, #tpu.memory_space<vmem>>
    %dma_start3A_229 = arith.constant 0 : i32
    %dma_start3A_230 = arith.constant 0 : i32
    %dma_start3A_231 = tpu.memref_slice %arg5[%dma_start3A_229, %dma_start3A_230] : memref<9x128xf32, #tpu.memory_space<vmem_shared>> -> memref<9x128xf32, #tpu.memory_space<vmem_shared>>
    tpu.enqueue_indirect_dma source(%dma_start3A_231 : memref<9x128xf32, #tpu.memory_space<vmem_shared>>) target(%arg8 : memref<112x128xf32, #tpu.memory_space<vmem>>) offsets(%dma_start3A_228 : memref<112xi32, #tpu.memory_space<vmem>>) semaphore(%arg12 : memref<!tpu.dma_semaphore, #tpu.memory_space<semaphore_mem>>)
    %dma_wait3A_232 = arith.constant 1120 : i32
    %dma_wait3A_233 = tpu.memref_slice %arg6[%dma_wait3A_232] : memref<3128xi32, #tpu.memory_space<vmem>> -> memref<112xi32, #tpu.memory_space<vmem>>
    %dma_wait3A_234 = arith.constant 0 : i32
    %dma_wait3A_235 = arith.constant 0 : i32
    %dma_wait3A_236 = tpu.memref_slice %arg5[%dma_wait3A_234, %dma_wait3A_235] : memref<9x128xf32, #tpu.memory_space<vmem_shared>> -> memref<9x128xf32, #tpu.memory_space<vmem_shared>>
    tpu.wait_indirect_dma semaphore(%arg13 : memref<!tpu.dma_semaphore, #tpu.memory_space<semaphore_mem>>) src(%dma_wait3A_236 : memref<9x128xf32, #tpu.memory_space<vmem_shared>>) dst(%arg9 : memref<112x128xf32, #tpu.memory_space<vmem>>)
    %add3A_237 = arith.constant 1120 : i32
    %add3A_238 = arith.addi %mul3A_2, %add3A_237 : i32
    %dma_start3A_239 = arith.constant 0 : i32
    %dma_start3A_240 = tpu.memref_slice %arg4[%add3A_238, %dma_start3A_239] : memref<100000x128xf32, #tpu.memory_space<hbm>> -> memref<112x128xf32, #tpu.memory_space<hbm>>
    %dma_start3A_241 = arith.constant 0 : i32
    %dma_start3A_242 = tpu.memref_slice %arg4[%add3A_238, %dma_start3A_241] : memref<100000x128xf32, #tpu.memory_space<hbm>> -> memref<112x128xf32, #tpu.memory_space<hbm>>
    tpu.enqueue_dma source(%arg9 : memref<112x128xf32, #tpu.memory_space<vmem>>) target(%dma_start3A_242 : memref<112x128xf32, #tpu.memory_space<hbm>>) target_semaphore(%arg17 : memref<!tpu.dma_semaphore, #tpu.memory_space<semaphore_mem>>)
    %dma_wait3A_243 = arith.constant 0 : i32
    %dma_wait3A_244 = tpu.memref_slice %arg4[%add3A_238, %dma_wait3A_243] : memref<100000x128xf32, #tpu.memory_space<hbm>> -> memref<112x128xf32, #tpu.memory_space<hbm>>
    %dma_wait3A_245 = arith.constant 0 : i32
    %dma_wait3A_246 = tpu.memref_slice %arg4[%add3A_238, %dma_wait3A_245] : memref<100000x128xf32, #tpu.memory_space<hbm>> -> memref<112x128xf32, #tpu.memory_space<hbm>>
    tpu.wait_dma2 semaphore(%arg17 : memref<!tpu.dma_semaphore, #tpu.memory_space<semaphore_mem>>) src(%arg9 : memref<112x128xf32, #tpu.memory_space<vmem>>) dst(%dma_wait3A_246 : memref<112x128xf32, #tpu.memory_space<hbm>>)
    %dma_start3A_247 = arith.constant 1568 : i32
    %dma_start3A_248 = tpu.memref_slice %arg6[%dma_start3A_247] : memref<3128xi32, #tpu.memory_space<vmem>> -> memref<112xi32, #tpu.memory_space<vmem>>
    %dma_start3A_249 = arith.constant 0 : i32
    %dma_start3A_250 = arith.constant 0 : i32
    %dma_start3A_251 = tpu.memref_slice %arg5[%dma_start3A_249, %dma_start3A_250] : memref<9x128xf32, #tpu.memory_space<vmem_shared>> -> memref<9x128xf32, #tpu.memory_space<vmem_shared>>
    tpu.enqueue_indirect_dma source(%dma_start3A_251 : memref<9x128xf32, #tpu.memory_space<vmem_shared>>) target(%arg9 : memref<112x128xf32, #tpu.memory_space<vmem>>) offsets(%dma_start3A_248 : memref<112xi32, #tpu.memory_space<vmem>>) semaphore(%arg13 : memref<!tpu.dma_semaphore, #tpu.memory_space<semaphore_mem>>)
    %dma_wait3A_252 = arith.constant 1232 : i32
    %dma_wait3A_253 = tpu.memref_slice %arg6[%dma_wait3A_252] : memref<3128xi32, #tpu.memory_space<vmem>> -> memref<112xi32, #tpu.memory_space<vmem>>
    %dma_wait3A_254 = arith.constant 0 : i32
    %dma_wait3A_255 = arith.constant 0 : i32
    %dma_wait3A_256 = tpu.memref_slice %arg5[%dma_wait3A_254, %dma_wait3A_255] : memref<9x128xf32, #tpu.memory_space<vmem_shared>> -> memref<9x128xf32, #tpu.memory_space<vmem_shared>>
    tpu.wait_indirect_dma semaphore(%arg14 : memref<!tpu.dma_semaphore, #tpu.memory_space<semaphore_mem>>) src(%dma_wait3A_256 : memref<9x128xf32, #tpu.memory_space<vmem_shared>>) dst(%arg10 : memref<112x128xf32, #tpu.memory_space<vmem>>)
    %add3A_257 = arith.constant 1232 : i32
    %add3A_258 = arith.addi %mul3A_2, %add3A_257 : i32
    %dma_start3A_259 = arith.constant 0 : i32
    %dma_start3A_260 = tpu.memref_slice %arg4[%add3A_258, %dma_start3A_259] : memref<100000x128xf32, #tpu.memory_space<hbm>> -> memref<112x128xf32, #tpu.memory_space<hbm>>
    %dma_start3A_261 = arith.constant 0 : i32
    %dma_start3A_262 = tpu.memref_slice %arg4[%add3A_258, %dma_start3A_261] : memref<100000x128xf32, #tpu.memory_space<hbm>> -> memref<112x128xf32, #tpu.memory_space<hbm>>
    tpu.enqueue_dma source(%arg10 : memref<112x128xf32, #tpu.memory_space<vmem>>) target(%dma_start3A_262 : memref<112x128xf32, #tpu.memory_space<hbm>>) target_semaphore(%arg18 : memref<!tpu.dma_semaphore, #tpu.memory_space<semaphore_mem>>)
    %dma_wait3A_263 = arith.constant 0 : i32
    %dma_wait3A_264 = tpu.memref_slice %arg4[%add3A_258, %dma_wait3A_263] : memref<100000x128xf32, #tpu.memory_space<hbm>> -> memref<112x128xf32, #tpu.memory_space<hbm>>
    %dma_wait3A_265 = arith.constant 0 : i32
    %dma_wait3A_266 = tpu.memref_slice %arg4[%add3A_258, %dma_wait3A_265] : memref<100000x128xf32, #tpu.memory_space<hbm>> -> memref<112x128xf32, #tpu.memory_space<hbm>>
    tpu.wait_dma2 semaphore(%arg18 : memref<!tpu.dma_semaphore, #tpu.memory_space<semaphore_mem>>) src(%arg10 : memref<112x128xf32, #tpu.memory_space<vmem>>) dst(%dma_wait3A_266 : memref<112x128xf32, #tpu.memory_space<hbm>>)
    %dma_start3A_267 = arith.constant 1680 : i32
    %dma_start3A_268 = tpu.memref_slice %arg6[%dma_start3A_267] : memref<3128xi32, #tpu.memory_space<vmem>> -> memref<112xi32, #tpu.memory_space<vmem>>
    %dma_start3A_269 = arith.constant 0 : i32
    %dma_start3A_270 = arith.constant 0 : i32
    %dma_start3A_271 = tpu.memref_slice %arg5[%dma_start3A_269, %dma_start3A_270] : memref<9x128xf32, #tpu.memory_space<vmem_shared>> -> memref<9x128xf32, #tpu.memory_space<vmem_shared>>
    tpu.enqueue_indirect_dma source(%dma_start3A_271 : memref<9x128xf32, #tpu.memory_space<vmem_shared>>) target(%arg10 : memref<112x128xf32, #tpu.memory_space<vmem>>) offsets(%dma_start3A_268 : memref<112xi32, #tpu.memory_space<vmem>>) semaphore(%arg14 : memref<!tpu.dma_semaphore, #tpu.memory_space<semaphore_mem>>)
    %dma_wait3A_272 = arith.constant 1344 : i32
    %dma_wait3A_273 = tpu.memref_slice %arg6[%dma_wait3A_272] : memref<3128xi32, #tpu.memory_space<vmem>> -> memref<112xi32, #tpu.memory_space<vmem>>
    %dma_wait3A_274 = arith.constant 0 : i32
    %dma_wait3A_275 = arith.constant 0 : i32
    %dma_wait3A_276 = tpu.memref_slice %arg5[%dma_wait3A_274, %dma_wait3A_275] : memref<9x128xf32, #tpu.memory_space<vmem_shared>> -> memref<9x128xf32, #tpu.memory_space<vmem_shared>>
    tpu.wait_indirect_dma semaphore(%arg11 : memref<!tpu.dma_semaphore, #tpu.memory_space<semaphore_mem>>) src(%dma_wait3A_276 : memref<9x128xf32, #tpu.memory_space<vmem_shared>>) dst(%arg7 : memref<112x128xf32, #tpu.memory_space<vmem>>)
    %add3A_277 = arith.constant 1344 : i32
    %add3A_278 = arith.addi %mul3A_2, %add3A_277 : i32
    %dma_start3A_279 = arith.constant 0 : i32
    %dma_start3A_280 = tpu.memref_slice %arg4[%add3A_278, %dma_start3A_279] : memref<100000x128xf32, #tpu.memory_space<hbm>> -> memref<112x128xf32, #tpu.memory_space<hbm>>
    %dma_start3A_281 = arith.constant 0 : i32
    %dma_start3A_282 = tpu.memref_slice %arg4[%add3A_278, %dma_start3A_281] : memref<100000x128xf32, #tpu.memory_space<hbm>> -> memref<112x128xf32, #tpu.memory_space<hbm>>
    tpu.enqueue_dma source(%arg7 : memref<112x128xf32, #tpu.memory_space<vmem>>) target(%dma_start3A_282 : memref<112x128xf32, #tpu.memory_space<hbm>>) target_semaphore(%arg15 : memref<!tpu.dma_semaphore, #tpu.memory_space<semaphore_mem>>)
    %dma_wait3A_283 = arith.constant 0 : i32
    %dma_wait3A_284 = tpu.memref_slice %arg4[%add3A_278, %dma_wait3A_283] : memref<100000x128xf32, #tpu.memory_space<hbm>> -> memref<112x128xf32, #tpu.memory_space<hbm>>
    %dma_wait3A_285 = arith.constant 0 : i32
    %dma_wait3A_286 = tpu.memref_slice %arg4[%add3A_278, %dma_wait3A_285] : memref<100000x128xf32, #tpu.memory_space<hbm>> -> memref<112x128xf32, #tpu.memory_space<hbm>>
    tpu.wait_dma2 semaphore(%arg15 : memref<!tpu.dma_semaphore, #tpu.memory_space<semaphore_mem>>) src(%arg7 : memref<112x128xf32, #tpu.memory_space<vmem>>) dst(%dma_wait3A_286 : memref<112x128xf32, #tpu.memory_space<hbm>>)
    %dma_start3A_287 = arith.constant 1792 : i32
    %dma_start3A_288 = tpu.memref_slice %arg6[%dma_start3A_287] : memref<3128xi32, #tpu.memory_space<vmem>> -> memref<112xi32, #tpu.memory_space<vmem>>
    %dma_start3A_289 = arith.constant 0 : i32
    %dma_start3A_290 = arith.constant 0 : i32
    %dma_start3A_291 = tpu.memref_slice %arg5[%dma_start3A_289, %dma_start3A_290] : memref<9x128xf32, #tpu.memory_space<vmem_shared>> -> memref<9x128xf32, #tpu.memory_space<vmem_shared>>
    tpu.enqueue_indirect_dma source(%dma_start3A_291 : memref<9x128xf32, #tpu.memory_space<vmem_shared>>) target(%arg7 : memref<112x128xf32, #tpu.memory_space<vmem>>) offsets(%dma_start3A_288 : memref<112xi32, #tpu.memory_space<vmem>>) semaphore(%arg11 : memref<!tpu.dma_semaphore, #tpu.memory_space<semaphore_mem>>)
    %dma_wait3A_292 = arith.constant 1456 : i32
    %dma_wait3A_293 = tpu.memref_slice %arg6[%dma_wait3A_292] : memref<3128xi32, #tpu.memory_space<vmem>> -> memref<112xi32, #tpu.memory_space<vmem>>
    %dma_wait3A_294 = arith.constant 0 : i32
    %dma_wait3A_295 = arith.constant 0 : i32
    %dma_wait3A_296 = tpu.memref_slice %arg5[%dma_wait3A_294, %dma_wait3A_295] : memref<9x128xf32, #tpu.memory_space<vmem_shared>> -> memref<9x128xf32, #tpu.memory_space<vmem_shared>>
    tpu.wait_indirect_dma semaphore(%arg12 : memref<!tpu.dma_semaphore, #tpu.memory_space<semaphore_mem>>) src(%dma_wait3A_296 : memref<9x128xf32, #tpu.memory_space<vmem_shared>>) dst(%arg8 : memref<112x128xf32, #tpu.memory_space<vmem>>)
    %add3A_297 = arith.constant 1456 : i32
    %add3A_298 = arith.addi %mul3A_2, %add3A_297 : i32
    %dma_start3A_299 = arith.constant 0 : i32
    %dma_start3A_300 = tpu.memref_slice %arg4[%add3A_298, %dma_start3A_299] : memref<100000x128xf32, #tpu.memory_space<hbm>> -> memref<112x128xf32, #tpu.memory_space<hbm>>
    %dma_start3A_301 = arith.constant 0 : i32
    %dma_start3A_302 = tpu.memref_slice %arg4[%add3A_298, %dma_start3A_301] : memref<100000x128xf32, #tpu.memory_space<hbm>> -> memref<112x128xf32, #tpu.memory_space<hbm>>
    tpu.enqueue_dma source(%arg8 : memref<112x128xf32, #tpu.memory_space<vmem>>) target(%dma_start3A_302 : memref<112x128xf32, #tpu.memory_space<hbm>>) target_semaphore(%arg16 : memref<!tpu.dma_semaphore, #tpu.memory_space<semaphore_mem>>)
    %dma_wait3A_303 = arith.constant 0 : i32
    %dma_wait3A_304 = tpu.memref_slice %arg4[%add3A_298, %dma_wait3A_303] : memref<100000x128xf32, #tpu.memory_space<hbm>> -> memref<112x128xf32, #tpu.memory_space<hbm>>
    %dma_wait3A_305 = arith.constant 0 : i32
    %dma_wait3A_306 = tpu.memref_slice %arg4[%add3A_298, %dma_wait3A_305] : memref<100000x128xf32, #tpu.memory_space<hbm>> -> memref<112x128xf32, #tpu.memory_space<hbm>>
    tpu.wait_dma2 semaphore(%arg16 : memref<!tpu.dma_semaphore, #tpu.memory_space<semaphore_mem>>) src(%arg8 : memref<112x128xf32, #tpu.memory_space<vmem>>) dst(%dma_wait3A_306 : memref<112x128xf32, #tpu.memory_space<hbm>>)
    %dma_start3A_307 = arith.constant 1904 : i32
    %dma_start3A_308 = tpu.memref_slice %arg6[%dma_start3A_307] : memref<3128xi32, #tpu.memory_space<vmem>> -> memref<112xi32, #tpu.memory_space<vmem>>
    %dma_start3A_309 = arith.constant 0 : i32
    %dma_start3A_310 = arith.constant 0 : i32
    %dma_start3A_311 = tpu.memref_slice %arg5[%dma_start3A_309, %dma_start3A_310] : memref<9x128xf32, #tpu.memory_space<vmem_shared>> -> memref<9x128xf32, #tpu.memory_space<vmem_shared>>
    tpu.enqueue_indirect_dma source(%dma_start3A_311 : memref<9x128xf32, #tpu.memory_space<vmem_shared>>) target(%arg8 : memref<112x128xf32, #tpu.memory_space<vmem>>) offsets(%dma_start3A_308 : memref<112xi32, #tpu.memory_space<vmem>>) semaphore(%arg12 : memref<!tpu.dma_semaphore, #tpu.memory_space<semaphore_mem>>)
    %dma_wait3A_312 = arith.constant 1568 : i32
    %dma_wait3A_313 = tpu.memref_slice %arg6[%dma_wait3A_312] : memref<3128xi32, #tpu.memory_space<vmem>> -> memref<112xi32, #tpu.memory_space<vmem>>
    %dma_wait3A_314 = arith.constant 0 : i32
    %dma_wait3A_315 = arith.constant 0 : i32
    %dma_wait3A_316 = tpu.memref_slice %arg5[%dma_wait3A_314, %dma_wait3A_315] : memref<9x128xf32, #tpu.memory_space<vmem_shared>> -> memref<9x128xf32, #tpu.memory_space<vmem_shared>>
    tpu.wait_indirect_dma semaphore(%arg13 : memref<!tpu.dma_semaphore, #tpu.memory_space<semaphore_mem>>) src(%dma_wait3A_316 : memref<9x128xf32, #tpu.memory_space<vmem_shared>>) dst(%arg9 : memref<112x128xf32, #tpu.memory_space<vmem>>)
    %add3A_317 = arith.constant 1568 : i32
    %add3A_318 = arith.addi %mul3A_2, %add3A_317 : i32
    %dma_start3A_319 = arith.constant 0 : i32
    %dma_start3A_320 = tpu.memref_slice %arg4[%add3A_318, %dma_start3A_319] : memref<100000x128xf32, #tpu.memory_space<hbm>> -> memref<112x128xf32, #tpu.memory_space<hbm>>
    %dma_start3A_321 = arith.constant 0 : i32
    %dma_start3A_322 = tpu.memref_slice %arg4[%add3A_318, %dma_start3A_321] : memref<100000x128xf32, #tpu.memory_space<hbm>> -> memref<112x128xf32, #tpu.memory_space<hbm>>
    tpu.enqueue_dma source(%arg9 : memref<112x128xf32, #tpu.memory_space<vmem>>) target(%dma_start3A_322 : memref<112x128xf32, #tpu.memory_space<hbm>>) target_semaphore(%arg17 : memref<!tpu.dma_semaphore, #tpu.memory_space<semaphore_mem>>)
    %dma_wait3A_323 = arith.constant 0 : i32
    %dma_wait3A_324 = tpu.memref_slice %arg4[%add3A_318, %dma_wait3A_323] : memref<100000x128xf32, #tpu.memory_space<hbm>> -> memref<112x128xf32, #tpu.memory_space<hbm>>
    %dma_wait3A_325 = arith.constant 0 : i32
    %dma_wait3A_326 = tpu.memref_slice %arg4[%add3A_318, %dma_wait3A_325] : memref<100000x128xf32, #tpu.memory_space<hbm>> -> memref<112x128xf32, #tpu.memory_space<hbm>>
    tpu.wait_dma2 semaphore(%arg17 : memref<!tpu.dma_semaphore, #tpu.memory_space<semaphore_mem>>) src(%arg9 : memref<112x128xf32, #tpu.memory_space<vmem>>) dst(%dma_wait3A_326 : memref<112x128xf32, #tpu.memory_space<hbm>>)
    %dma_start3A_327 = arith.constant 2016 : i32
    %dma_start3A_328 = tpu.memref_slice %arg6[%dma_start3A_327] : memref<3128xi32, #tpu.memory_space<vmem>> -> memref<112xi32, #tpu.memory_space<vmem>>
    %dma_start3A_329 = arith.constant 0 : i32
    %dma_start3A_330 = arith.constant 0 : i32
    %dma_start3A_331 = tpu.memref_slice %arg5[%dma_start3A_329, %dma_start3A_330] : memref<9x128xf32, #tpu.memory_space<vmem_shared>> -> memref<9x128xf32, #tpu.memory_space<vmem_shared>>
    tpu.enqueue_indirect_dma source(%dma_start3A_331 : memref<9x128xf32, #tpu.memory_space<vmem_shared>>) target(%arg9 : memref<112x128xf32, #tpu.memory_space<vmem>>) offsets(%dma_start3A_328 : memref<112xi32, #tpu.memory_space<vmem>>) semaphore(%arg13 : memref<!tpu.dma_semaphore, #tpu.memory_space<semaphore_mem>>)
    %dma_wait3A_332 = arith.constant 1680 : i32
    %dma_wait3A_333 = tpu.memref_slice %arg6[%dma_wait3A_332] : memref<3128xi32, #tpu.memory_space<vmem>> -> memref<112xi32, #tpu.memory_space<vmem>>
    %dma_wait3A_334 = arith.constant 0 : i32
    %dma_wait3A_335 = arith.constant 0 : i32
    %dma_wait3A_336 = tpu.memref_slice %arg5[%dma_wait3A_334, %dma_wait3A_335] : memref<9x128xf32, #tpu.memory_space<vmem_shared>> -> memref<9x128xf32, #tpu.memory_space<vmem_shared>>
    tpu.wait_indirect_dma semaphore(%arg14 : memref<!tpu.dma_semaphore, #tpu.memory_space<semaphore_mem>>) src(%dma_wait3A_336 : memref<9x128xf32, #tpu.memory_space<vmem_shared>>) dst(%arg10 : memref<112x128xf32, #tpu.memory_space<vmem>>)
    %add3A_337 = arith.constant 1680 : i32
    %add3A_338 = arith.addi %mul3A_2, %add3A_337 : i32
    %dma_start3A_339 = arith.constant 0 : i32
    %dma_start3A_340 = tpu.memref_slice %arg4[%add3A_338, %dma_start3A_339] : memref<100000x128xf32, #tpu.memory_space<hbm>> -> memref<112x128xf32, #tpu.memory_space<hbm>>
    %dma_start3A_341 = arith.constant 0 : i32
    %dma_start3A_342 = tpu.memref_slice %arg4[%add3A_338, %dma_start3A_341] : memref<100000x128xf32, #tpu.memory_space<hbm>> -> memref<112x128xf32, #tpu.memory_space<hbm>>
    tpu.enqueue_dma source(%arg10 : memref<112x128xf32, #tpu.memory_space<vmem>>) target(%dma_start3A_342 : memref<112x128xf32, #tpu.memory_space<hbm>>) target_semaphore(%arg18 : memref<!tpu.dma_semaphore, #tpu.memory_space<semaphore_mem>>)
    %dma_wait3A_343 = arith.constant 0 : i32
    %dma_wait3A_344 = tpu.memref_slice %arg4[%add3A_338, %dma_wait3A_343] : memref<100000x128xf32, #tpu.memory_space<hbm>> -> memref<112x128xf32, #tpu.memory_space<hbm>>
    %dma_wait3A_345 = arith.constant 0 : i32
    %dma_wait3A_346 = tpu.memref_slice %arg4[%add3A_338, %dma_wait3A_345] : memref<100000x128xf32, #tpu.memory_space<hbm>> -> memref<112x128xf32, #tpu.memory_space<hbm>>
    tpu.wait_dma2 semaphore(%arg18 : memref<!tpu.dma_semaphore, #tpu.memory_space<semaphore_mem>>) src(%arg10 : memref<112x128xf32, #tpu.memory_space<vmem>>) dst(%dma_wait3A_346 : memref<112x128xf32, #tpu.memory_space<hbm>>)
    %dma_start3A_347 = arith.constant 2128 : i32
    %dma_start3A_348 = tpu.memref_slice %arg6[%dma_start3A_347] : memref<3128xi32, #tpu.memory_space<vmem>> -> memref<112xi32, #tpu.memory_space<vmem>>
    %dma_start3A_349 = arith.constant 0 : i32
    %dma_start3A_350 = arith.constant 0 : i32
    %dma_start3A_351 = tpu.memref_slice %arg5[%dma_start3A_349, %dma_start3A_350] : memref<9x128xf32, #tpu.memory_space<vmem_shared>> -> memref<9x128xf32, #tpu.memory_space<vmem_shared>>
    tpu.enqueue_indirect_dma source(%dma_start3A_351 : memref<9x128xf32, #tpu.memory_space<vmem_shared>>) target(%arg10 : memref<112x128xf32, #tpu.memory_space<vmem>>) offsets(%dma_start3A_348 : memref<112xi32, #tpu.memory_space<vmem>>) semaphore(%arg14 : memref<!tpu.dma_semaphore, #tpu.memory_space<semaphore_mem>>)
    %dma_wait3A_352 = arith.constant 1792 : i32
    %dma_wait3A_353 = tpu.memref_slice %arg6[%dma_wait3A_352] : memref<3128xi32, #tpu.memory_space<vmem>> -> memref<112xi32, #tpu.memory_space<vmem>>
    %dma_wait3A_354 = arith.constant 0 : i32
    %dma_wait3A_355 = arith.constant 0 : i32
    %dma_wait3A_356 = tpu.memref_slice %arg5[%dma_wait3A_354, %dma_wait3A_355] : memref<9x128xf32, #tpu.memory_space<vmem_shared>> -> memref<9x128xf32, #tpu.memory_space<vmem_shared>>
    tpu.wait_indirect_dma semaphore(%arg11 : memref<!tpu.dma_semaphore, #tpu.memory_space<semaphore_mem>>) src(%dma_wait3A_356 : memref<9x128xf32, #tpu.memory_space<vmem_shared>>) dst(%arg7 : memref<112x128xf32, #tpu.memory_space<vmem>>)
    %add3A_357 = arith.constant 1792 : i32
    %add3A_358 = arith.addi %mul3A_2, %add3A_357 : i32
    %dma_start3A_359 = arith.constant 0 : i32
    %dma_start3A_360 = tpu.memref_slice %arg4[%add3A_358, %dma_start3A_359] : memref<100000x128xf32, #tpu.memory_space<hbm>> -> memref<112x128xf32, #tpu.memory_space<hbm>>
    %dma_start3A_361 = arith.constant 0 : i32
    %dma_start3A_362 = tpu.memref_slice %arg4[%add3A_358, %dma_start3A_361] : memref<100000x128xf32, #tpu.memory_space<hbm>> -> memref<112x128xf32, #tpu.memory_space<hbm>>
    tpu.enqueue_dma source(%arg7 : memref<112x128xf32, #tpu.memory_space<vmem>>) target(%dma_start3A_362 : memref<112x128xf32, #tpu.memory_space<hbm>>) target_semaphore(%arg15 : memref<!tpu.dma_semaphore, #tpu.memory_space<semaphore_mem>>)
    %dma_wait3A_363 = arith.constant 0 : i32
    %dma_wait3A_364 = tpu.memref_slice %arg4[%add3A_358, %dma_wait3A_363] : memref<100000x128xf32, #tpu.memory_space<hbm>> -> memref<112x128xf32, #tpu.memory_space<hbm>>
    %dma_wait3A_365 = arith.constant 0 : i32
    %dma_wait3A_366 = tpu.memref_slice %arg4[%add3A_358, %dma_wait3A_365] : memref<100000x128xf32, #tpu.memory_space<hbm>> -> memref<112x128xf32, #tpu.memory_space<hbm>>
    tpu.wait_dma2 semaphore(%arg15 : memref<!tpu.dma_semaphore, #tpu.memory_space<semaphore_mem>>) src(%arg7 : memref<112x128xf32, #tpu.memory_space<vmem>>) dst(%dma_wait3A_366 : memref<112x128xf32, #tpu.memory_space<hbm>>)
    %dma_start3A_367 = arith.constant 2240 : i32
    %dma_start3A_368 = tpu.memref_slice %arg6[%dma_start3A_367] : memref<3128xi32, #tpu.memory_space<vmem>> -> memref<112xi32, #tpu.memory_space<vmem>>
    %dma_start3A_369 = arith.constant 0 : i32
    %dma_start3A_370 = arith.constant 0 : i32
    %dma_start3A_371 = tpu.memref_slice %arg5[%dma_start3A_369, %dma_start3A_370] : memref<9x128xf32, #tpu.memory_space<vmem_shared>> -> memref<9x128xf32, #tpu.memory_space<vmem_shared>>
    tpu.enqueue_indirect_dma source(%dma_start3A_371 : memref<9x128xf32, #tpu.memory_space<vmem_shared>>) target(%arg7 : memref<112x128xf32, #tpu.memory_space<vmem>>) offsets(%dma_start3A_368 : memref<112xi32, #tpu.memory_space<vmem>>) semaphore(%arg11 : memref<!tpu.dma_semaphore, #tpu.memory_space<semaphore_mem>>)
    %dma_wait3A_372 = arith.constant 1904 : i32
    %dma_wait3A_373 = tpu.memref_slice %arg6[%dma_wait3A_372] : memref<3128xi32, #tpu.memory_space<vmem>> -> memref<112xi32, #tpu.memory_space<vmem>>
    %dma_wait3A_374 = arith.constant 0 : i32
    %dma_wait3A_375 = arith.constant 0 : i32
    %dma_wait3A_376 = tpu.memref_slice %arg5[%dma_wait3A_374, %dma_wait3A_375] : memref<9x128xf32, #tpu.memory_space<vmem_shared>> -> memref<9x128xf32, #tpu.memory_space<vmem_shared>>
    tpu.wait_indirect_dma semaphore(%arg12 : memref<!tpu.dma_semaphore, #tpu.memory_space<semaphore_mem>>) src(%dma_wait3A_376 : memref<9x128xf32, #tpu.memory_space<vmem_shared>>) dst(%arg8 : memref<112x128xf32, #tpu.memory_space<vmem>>)
    %add3A_377 = arith.constant 1904 : i32
    %add3A_378 = arith.addi %mul3A_2, %add3A_377 : i32
    %dma_start3A_379 = arith.constant 0 : i32
    %dma_start3A_380 = tpu.memref_slice %arg4[%add3A_378, %dma_start3A_379] : memref<100000x128xf32, #tpu.memory_space<hbm>> -> memref<112x128xf32, #tpu.memory_space<hbm>>
    %dma_start3A_381 = arith.constant 0 : i32
    %dma_start3A_382 = tpu.memref_slice %arg4[%add3A_378, %dma_start3A_381] : memref<100000x128xf32, #tpu.memory_space<hbm>> -> memref<112x128xf32, #tpu.memory_space<hbm>>
    tpu.enqueue_dma source(%arg8 : memref<112x128xf32, #tpu.memory_space<vmem>>) target(%dma_start3A_382 : memref<112x128xf32, #tpu.memory_space<hbm>>) target_semaphore(%arg16 : memref<!tpu.dma_semaphore, #tpu.memory_space<semaphore_mem>>)
    %dma_wait3A_383 = arith.constant 0 : i32
    %dma_wait3A_384 = tpu.memref_slice %arg4[%add3A_378, %dma_wait3A_383] : memref<100000x128xf32, #tpu.memory_space<hbm>> -> memref<112x128xf32, #tpu.memory_space<hbm>>
    %dma_wait3A_385 = arith.constant 0 : i32
    %dma_wait3A_386 = tpu.memref_slice %arg4[%add3A_378, %dma_wait3A_385] : memref<100000x128xf32, #tpu.memory_space<hbm>> -> memref<112x128xf32, #tpu.memory_space<hbm>>
    tpu.wait_dma2 semaphore(%arg16 : memref<!tpu.dma_semaphore, #tpu.memory_space<semaphore_mem>>) src(%arg8 : memref<112x128xf32, #tpu.memory_space<vmem>>) dst(%dma_wait3A_386 : memref<112x128xf32, #tpu.memory_space<hbm>>)
    %dma_start3A_387 = arith.constant 2352 : i32
    %dma_start3A_388 = tpu.memref_slice %arg6[%dma_start3A_387] : memref<3128xi32, #tpu.memory_space<vmem>> -> memref<112xi32, #tpu.memory_space<vmem>>
    %dma_start3A_389 = arith.constant 0 : i32
    %dma_start3A_390 = arith.constant 0 : i32
    %dma_start3A_391 = tpu.memref_slice %arg5[%dma_start3A_389, %dma_start3A_390] : memref<9x128xf32, #tpu.memory_space<vmem_shared>> -> memref<9x128xf32, #tpu.memory_space<vmem_shared>>
    tpu.enqueue_indirect_dma source(%dma_start3A_391 : memref<9x128xf32, #tpu.memory_space<vmem_shared>>) target(%arg8 : memref<112x128xf32, #tpu.memory_space<vmem>>) offsets(%dma_start3A_388 : memref<112xi32, #tpu.memory_space<vmem>>) semaphore(%arg12 : memref<!tpu.dma_semaphore, #tpu.memory_space<semaphore_mem>>)
    %dma_wait3A_392 = arith.constant 2016 : i32
    %dma_wait3A_393 = tpu.memref_slice %arg6[%dma_wait3A_392] : memref<3128xi32, #tpu.memory_space<vmem>> -> memref<112xi32, #tpu.memory_space<vmem>>
    %dma_wait3A_394 = arith.constant 0 : i32
    %dma_wait3A_395 = arith.constant 0 : i32
    %dma_wait3A_396 = tpu.memref_slice %arg5[%dma_wait3A_394, %dma_wait3A_395] : memref<9x128xf32, #tpu.memory_space<vmem_shared>> -> memref<9x128xf32, #tpu.memory_space<vmem_shared>>
    tpu.wait_indirect_dma semaphore(%arg13 : memref<!tpu.dma_semaphore, #tpu.memory_space<semaphore_mem>>) src(%dma_wait3A_396 : memref<9x128xf32, #tpu.memory_space<vmem_shared>>) dst(%arg9 : memref<112x128xf32, #tpu.memory_space<vmem>>)
    %add3A_397 = arith.constant 2016 : i32
    %add3A_398 = arith.addi %mul3A_2, %add3A_397 : i32
    %dma_start3A_399 = arith.constant 0 : i32
    %dma_start3A_400 = tpu.memref_slice %arg4[%add3A_398, %dma_start3A_399] : memref<100000x128xf32, #tpu.memory_space<hbm>> -> memref<112x128xf32, #tpu.memory_space<hbm>>
    %dma_start3A_401 = arith.constant 0 : i32
    %dma_start3A_402 = tpu.memref_slice %arg4[%add3A_398, %dma_start3A_401] : memref<100000x128xf32, #tpu.memory_space<hbm>> -> memref<112x128xf32, #tpu.memory_space<hbm>>
    tpu.enqueue_dma source(%arg9 : memref<112x128xf32, #tpu.memory_space<vmem>>) target(%dma_start3A_402 : memref<112x128xf32, #tpu.memory_space<hbm>>) target_semaphore(%arg17 : memref<!tpu.dma_semaphore, #tpu.memory_space<semaphore_mem>>)
    %dma_wait3A_403 = arith.constant 0 : i32
    %dma_wait3A_404 = tpu.memref_slice %arg4[%add3A_398, %dma_wait3A_403] : memref<100000x128xf32, #tpu.memory_space<hbm>> -> memref<112x128xf32, #tpu.memory_space<hbm>>
    %dma_wait3A_405 = arith.constant 0 : i32
    %dma_wait3A_406 = tpu.memref_slice %arg4[%add3A_398, %dma_wait3A_405] : memref<100000x128xf32, #tpu.memory_space<hbm>> -> memref<112x128xf32, #tpu.memory_space<hbm>>
    tpu.wait_dma2 semaphore(%arg17 : memref<!tpu.dma_semaphore, #tpu.memory_space<semaphore_mem>>) src(%arg9 : memref<112x128xf32, #tpu.memory_space<vmem>>) dst(%dma_wait3A_406 : memref<112x128xf32, #tpu.memory_space<hbm>>)
    %dma_start3A_407 = arith.constant 2464 : i32
    %dma_start3A_408 = tpu.memref_slice %arg6[%dma_start3A_407] : memref<3128xi32, #tpu.memory_space<vmem>> -> memref<112xi32, #tpu.memory_space<vmem>>
    %dma_start3A_409 = arith.constant 0 : i32
    %dma_start3A_410 = arith.constant 0 : i32
    %dma_start3A_411 = tpu.memref_slice %arg5[%dma_start3A_409, %dma_start3A_410] : memref<9x128xf32, #tpu.memory_space<vmem_shared>> -> memref<9x128xf32, #tpu.memory_space<vmem_shared>>
    tpu.enqueue_indirect_dma source(%dma_start3A_411 : memref<9x128xf32, #tpu.memory_space<vmem_shared>>) target(%arg9 : memref<112x128xf32, #tpu.memory_space<vmem>>) offsets(%dma_start3A_408 : memref<112xi32, #tpu.memory_space<vmem>>) semaphore(%arg13 : memref<!tpu.dma_semaphore, #tpu.memory_space<semaphore_mem>>)
    %dma_wait3A_412 = arith.constant 2128 : i32
    %dma_wait3A_413 = tpu.memref_slice %arg6[%dma_wait3A_412] : memref<3128xi32, #tpu.memory_space<vmem>> -> memref<112xi32, #tpu.memory_space<vmem>>
    %dma_wait3A_414 = arith.constant 0 : i32
    %dma_wait3A_415 = arith.constant 0 : i32
    %dma_wait3A_416 = tpu.memref_slice %arg5[%dma_wait3A_414, %dma_wait3A_415] : memref<9x128xf32, #tpu.memory_space<vmem_shared>> -> memref<9x128xf32, #tpu.memory_space<vmem_shared>>
    tpu.wait_indirect_dma semaphore(%arg14 : memref<!tpu.dma_semaphore, #tpu.memory_space<semaphore_mem>>) src(%dma_wait3A_416 : memref<9x128xf32, #tpu.memory_space<vmem_shared>>) dst(%arg10 : memref<112x128xf32, #tpu.memory_space<vmem>>)
    %add3A_417 = arith.constant 2128 : i32
    %add3A_418 = arith.addi %mul3A_2, %add3A_417 : i32
    %dma_start3A_419 = arith.constant 0 : i32
    %dma_start3A_420 = tpu.memref_slice %arg4[%add3A_418, %dma_start3A_419] : memref<100000x128xf32, #tpu.memory_space<hbm>> -> memref<112x128xf32, #tpu.memory_space<hbm>>
    %dma_start3A_421 = arith.constant 0 : i32
    %dma_start3A_422 = tpu.memref_slice %arg4[%add3A_418, %dma_start3A_421] : memref<100000x128xf32, #tpu.memory_space<hbm>> -> memref<112x128xf32, #tpu.memory_space<hbm>>
    tpu.enqueue_dma source(%arg10 : memref<112x128xf32, #tpu.memory_space<vmem>>) target(%dma_start3A_422 : memref<112x128xf32, #tpu.memory_space<hbm>>) target_semaphore(%arg18 : memref<!tpu.dma_semaphore, #tpu.memory_space<semaphore_mem>>)
    %dma_wait3A_423 = arith.constant 0 : i32
    %dma_wait3A_424 = tpu.memref_slice %arg4[%add3A_418, %dma_wait3A_423] : memref<100000x128xf32, #tpu.memory_space<hbm>> -> memref<112x128xf32, #tpu.memory_space<hbm>>
    %dma_wait3A_425 = arith.constant 0 : i32
    %dma_wait3A_426 = tpu.memref_slice %arg4[%add3A_418, %dma_wait3A_425] : memref<100000x128xf32, #tpu.memory_space<hbm>> -> memref<112x128xf32, #tpu.memory_space<hbm>>
    tpu.wait_dma2 semaphore(%arg18 : memref<!tpu.dma_semaphore, #tpu.memory_space<semaphore_mem>>) src(%arg10 : memref<112x128xf32, #tpu.memory_space<vmem>>) dst(%dma_wait3A_426 : memref<112x128xf32, #tpu.memory_space<hbm>>)
    %dma_start3A_427 = arith.constant 2576 : i32
    %dma_start3A_428 = tpu.memref_slice %arg6[%dma_start3A_427] : memref<3128xi32, #tpu.memory_space<vmem>> -> memref<112xi32, #tpu.memory_space<vmem>>
    %dma_start3A_429 = arith.constant 0 : i32
    %dma_start3A_430 = arith.constant 0 : i32
    %dma_start3A_431 = tpu.memref_slice %arg5[%dma_start3A_429, %dma_start3A_430] : memref<9x128xf32, #tpu.memory_space<vmem_shared>> -> memref<9x128xf32, #tpu.memory_space<vmem_shared>>
    tpu.enqueue_indirect_dma source(%dma_start3A_431 : memref<9x128xf32, #tpu.memory_space<vmem_shared>>) target(%arg10 : memref<112x128xf32, #tpu.memory_space<vmem>>) offsets(%dma_start3A_428 : memref<112xi32, #tpu.memory_space<vmem>>) semaphore(%arg14 : memref<!tpu.dma_semaphore, #tpu.memory_space<semaphore_mem>>)
    %dma_wait3A_432 = arith.constant 2240 : i32
    %dma_wait3A_433 = tpu.memref_slice %arg6[%dma_wait3A_432] : memref<3128xi32, #tpu.memory_space<vmem>> -> memref<112xi32, #tpu.memory_space<vmem>>
    %dma_wait3A_434 = arith.constant 0 : i32
    %dma_wait3A_435 = arith.constant 0 : i32
    %dma_wait3A_436 = tpu.memref_slice %arg5[%dma_wait3A_434, %dma_wait3A_435] : memref<9x128xf32, #tpu.memory_space<vmem_shared>> -> memref<9x128xf32, #tpu.memory_space<vmem_shared>>
    tpu.wait_indirect_dma semaphore(%arg11 : memref<!tpu.dma_semaphore, #tpu.memory_space<semaphore_mem>>) src(%dma_wait3A_436 : memref<9x128xf32, #tpu.memory_space<vmem_shared>>) dst(%arg7 : memref<112x128xf32, #tpu.memory_space<vmem>>)
    %add3A_437 = arith.constant 2240 : i32
    %add3A_438 = arith.addi %mul3A_2, %add3A_437 : i32
    %dma_start3A_439 = arith.constant 0 : i32
    %dma_start3A_440 = tpu.memref_slice %arg4[%add3A_438, %dma_start3A_439] : memref<100000x128xf32, #tpu.memory_space<hbm>> -> memref<112x128xf32, #tpu.memory_space<hbm>>
    %dma_start3A_441 = arith.constant 0 : i32
    %dma_start3A_442 = tpu.memref_slice %arg4[%add3A_438, %dma_start3A_441] : memref<100000x128xf32, #tpu.memory_space<hbm>> -> memref<112x128xf32, #tpu.memory_space<hbm>>
    tpu.enqueue_dma source(%arg7 : memref<112x128xf32, #tpu.memory_space<vmem>>) target(%dma_start3A_442 : memref<112x128xf32, #tpu.memory_space<hbm>>) target_semaphore(%arg15 : memref<!tpu.dma_semaphore, #tpu.memory_space<semaphore_mem>>)
    %dma_wait3A_443 = arith.constant 0 : i32
    %dma_wait3A_444 = tpu.memref_slice %arg4[%add3A_438, %dma_wait3A_443] : memref<100000x128xf32, #tpu.memory_space<hbm>> -> memref<112x128xf32, #tpu.memory_space<hbm>>
    %dma_wait3A_445 = arith.constant 0 : i32
    %dma_wait3A_446 = tpu.memref_slice %arg4[%add3A_438, %dma_wait3A_445] : memref<100000x128xf32, #tpu.memory_space<hbm>> -> memref<112x128xf32, #tpu.memory_space<hbm>>
    tpu.wait_dma2 semaphore(%arg15 : memref<!tpu.dma_semaphore, #tpu.memory_space<semaphore_mem>>) src(%arg7 : memref<112x128xf32, #tpu.memory_space<vmem>>) dst(%dma_wait3A_446 : memref<112x128xf32, #tpu.memory_space<hbm>>)
    %dma_start3A_447 = arith.constant 2688 : i32
    %dma_start3A_448 = tpu.memref_slice %arg6[%dma_start3A_447] : memref<3128xi32, #tpu.memory_space<vmem>> -> memref<112xi32, #tpu.memory_space<vmem>>
    %dma_start3A_449 = arith.constant 0 : i32
    %dma_start3A_450 = arith.constant 0 : i32
    %dma_start3A_451 = tpu.memref_slice %arg5[%dma_start3A_449, %dma_start3A_450] : memref<9x128xf32, #tpu.memory_space<vmem_shared>> -> memref<9x128xf32, #tpu.memory_space<vmem_shared>>
    tpu.enqueue_indirect_dma source(%dma_start3A_451 : memref<9x128xf32, #tpu.memory_space<vmem_shared>>) target(%arg7 : memref<112x128xf32, #tpu.memory_space<vmem>>) offsets(%dma_start3A_448 : memref<112xi32, #tpu.memory_space<vmem>>) semaphore(%arg11 : memref<!tpu.dma_semaphore, #tpu.memory_space<semaphore_mem>>)
    %dma_wait3A_452 = arith.constant 2352 : i32
    %dma_wait3A_453 = tpu.memref_slice %arg6[%dma_wait3A_452] : memref<3128xi32, #tpu.memory_space<vmem>> -> memref<112xi32, #tpu.memory_space<vmem>>
    %dma_wait3A_454 = arith.constant 0 : i32
    %dma_wait3A_455 = arith.constant 0 : i32
    %dma_wait3A_456 = tpu.memref_slice %arg5[%dma_wait3A_454, %dma_wait3A_455] : memref<9x128xf32, #tpu.memory_space<vmem_shared>> -> memref<9x128xf32, #tpu.memory_space<vmem_shared>>
    tpu.wait_indirect_dma semaphore(%arg12 : memref<!tpu.dma_semaphore, #tpu.memory_space<semaphore_mem>>) src(%dma_wait3A_456 : memref<9x128xf32, #tpu.memory_space<vmem_shared>>) dst(%arg8 : memref<112x128xf32, #tpu.memory_space<vmem>>)
    %add3A_457 = arith.constant 2352 : i32
    %add3A_458 = arith.addi %mul3A_2, %add3A_457 : i32
    %dma_start3A_459 = arith.constant 0 : i32
    %dma_start3A_460 = tpu.memref_slice %arg4[%add3A_458, %dma_start3A_459] : memref<100000x128xf32, #tpu.memory_space<hbm>> -> memref<112x128xf32, #tpu.memory_space<hbm>>
    %dma_start3A_461 = arith.constant 0 : i32
    %dma_start3A_462 = tpu.memref_slice %arg4[%add3A_458, %dma_start3A_461] : memref<100000x128xf32, #tpu.memory_space<hbm>> -> memref<112x128xf32, #tpu.memory_space<hbm>>
    tpu.enqueue_dma source(%arg8 : memref<112x128xf32, #tpu.memory_space<vmem>>) target(%dma_start3A_462 : memref<112x128xf32, #tpu.memory_space<hbm>>) target_semaphore(%arg16 : memref<!tpu.dma_semaphore, #tpu.memory_space<semaphore_mem>>)
    %dma_wait3A_463 = arith.constant 0 : i32
    %dma_wait3A_464 = tpu.memref_slice %arg4[%add3A_458, %dma_wait3A_463] : memref<100000x128xf32, #tpu.memory_space<hbm>> -> memref<112x128xf32, #tpu.memory_space<hbm>>
    %dma_wait3A_465 = arith.constant 0 : i32
    %dma_wait3A_466 = tpu.memref_slice %arg4[%add3A_458, %dma_wait3A_465] : memref<100000x128xf32, #tpu.memory_space<hbm>> -> memref<112x128xf32, #tpu.memory_space<hbm>>
    tpu.wait_dma2 semaphore(%arg16 : memref<!tpu.dma_semaphore, #tpu.memory_space<semaphore_mem>>) src(%arg8 : memref<112x128xf32, #tpu.memory_space<vmem>>) dst(%dma_wait3A_466 : memref<112x128xf32, #tpu.memory_space<hbm>>)
    %dma_start3A_467 = arith.constant 2800 : i32
    %dma_start3A_468 = tpu.memref_slice %arg6[%dma_start3A_467] : memref<3128xi32, #tpu.memory_space<vmem>> -> memref<112xi32, #tpu.memory_space<vmem>>
    %dma_start3A_469 = arith.constant 0 : i32
    %dma_start3A_470 = arith.constant 0 : i32
    %dma_start3A_471 = tpu.memref_slice %arg5[%dma_start3A_469, %dma_start3A_470] : memref<9x128xf32, #tpu.memory_space<vmem_shared>> -> memref<9x128xf32, #tpu.memory_space<vmem_shared>>
    tpu.enqueue_indirect_dma source(%dma_start3A_471 : memref<9x128xf32, #tpu.memory_space<vmem_shared>>) target(%arg8 : memref<112x128xf32, #tpu.memory_space<vmem>>) offsets(%dma_start3A_468 : memref<112xi32, #tpu.memory_space<vmem>>) semaphore(%arg12 : memref<!tpu.dma_semaphore, #tpu.memory_space<semaphore_mem>>)
    %dma_wait3A_472 = arith.constant 2464 : i32
    %dma_wait3A_473 = tpu.memref_slice %arg6[%dma_wait3A_472] : memref<3128xi32, #tpu.memory_space<vmem>> -> memref<112xi32, #tpu.memory_space<vmem>>
    %dma_wait3A_474 = arith.constant 0 : i32
    %dma_wait3A_475 = arith.constant 0 : i32
    %dma_wait3A_476 = tpu.memref_slice %arg5[%dma_wait3A_474, %dma_wait3A_475] : memref<9x128xf32, #tpu.memory_space<vmem_shared>> -> memref<9x128xf32, #tpu.memory_space<vmem_shared>>
    tpu.wait_indirect_dma semaphore(%arg13 : memref<!tpu.dma_semaphore, #tpu.memory_space<semaphore_mem>>) src(%dma_wait3A_476 : memref<9x128xf32, #tpu.memory_space<vmem_shared>>) dst(%arg9 : memref<112x128xf32, #tpu.memory_space<vmem>>)
    %add3A_477 = arith.constant 2464 : i32
    %add3A_478 = arith.addi %mul3A_2, %add3A_477 : i32
    %dma_start3A_479 = arith.constant 0 : i32
    %dma_start3A_480 = tpu.memref_slice %arg4[%add3A_478, %dma_start3A_479] : memref<100000x128xf32, #tpu.memory_space<hbm>> -> memref<112x128xf32, #tpu.memory_space<hbm>>
    %dma_start3A_481 = arith.constant 0 : i32
    %dma_start3A_482 = tpu.memref_slice %arg4[%add3A_478, %dma_start3A_481] : memref<100000x128xf32, #tpu.memory_space<hbm>> -> memref<112x128xf32, #tpu.memory_space<hbm>>
    tpu.enqueue_dma source(%arg9 : memref<112x128xf32, #tpu.memory_space<vmem>>) target(%dma_start3A_482 : memref<112x128xf32, #tpu.memory_space<hbm>>) target_semaphore(%arg17 : memref<!tpu.dma_semaphore, #tpu.memory_space<semaphore_mem>>)
    %dma_wait3A_483 = arith.constant 0 : i32
    %dma_wait3A_484 = tpu.memref_slice %arg4[%add3A_478, %dma_wait3A_483] : memref<100000x128xf32, #tpu.memory_space<hbm>> -> memref<112x128xf32, #tpu.memory_space<hbm>>
    %dma_wait3A_485 = arith.constant 0 : i32
    %dma_wait3A_486 = tpu.memref_slice %arg4[%add3A_478, %dma_wait3A_485] : memref<100000x128xf32, #tpu.memory_space<hbm>> -> memref<112x128xf32, #tpu.memory_space<hbm>>
    tpu.wait_dma2 semaphore(%arg17 : memref<!tpu.dma_semaphore, #tpu.memory_space<semaphore_mem>>) src(%arg9 : memref<112x128xf32, #tpu.memory_space<vmem>>) dst(%dma_wait3A_486 : memref<112x128xf32, #tpu.memory_space<hbm>>)
    %dma_start3A_487 = arith.constant 2912 : i32
    %dma_start3A_488 = tpu.memref_slice %arg6[%dma_start3A_487] : memref<3128xi32, #tpu.memory_space<vmem>> -> memref<112xi32, #tpu.memory_space<vmem>>
    %dma_start3A_489 = arith.constant 0 : i32
    %dma_start3A_490 = arith.constant 0 : i32
    %dma_start3A_491 = tpu.memref_slice %arg5[%dma_start3A_489, %dma_start3A_490] : memref<9x128xf32, #tpu.memory_space<vmem_shared>> -> memref<9x128xf32, #tpu.memory_space<vmem_shared>>
    tpu.enqueue_indirect_dma source(%dma_start3A_491 : memref<9x128xf32, #tpu.memory_space<vmem_shared>>) target(%arg9 : memref<112x128xf32, #tpu.memory_space<vmem>>) offsets(%dma_start3A_488 : memref<112xi32, #tpu.memory_space<vmem>>) semaphore(%arg13 : memref<!tpu.dma_semaphore, #tpu.memory_space<semaphore_mem>>)
    %dma_wait3A_492 = arith.constant 2576 : i32
    %dma_wait3A_493 = tpu.memref_slice %arg6[%dma_wait3A_492] : memref<3128xi32, #tpu.memory_space<vmem>> -> memref<112xi32, #tpu.memory_space<vmem>>
    %dma_wait3A_494 = arith.constant 0 : i32
    %dma_wait3A_495 = arith.constant 0 : i32
    %dma_wait3A_496 = tpu.memref_slice %arg5[%dma_wait3A_494, %dma_wait3A_495] : memref<9x128xf32, #tpu.memory_space<vmem_shared>> -> memref<9x128xf32, #tpu.memory_space<vmem_shared>>
    tpu.wait_indirect_dma semaphore(%arg14 : memref<!tpu.dma_semaphore, #tpu.memory_space<semaphore_mem>>) src(%dma_wait3A_496 : memref<9x128xf32, #tpu.memory_space<vmem_shared>>) dst(%arg10 : memref<112x128xf32, #tpu.memory_space<vmem>>)
    %add3A_497 = arith.constant 2576 : i32
    %add3A_498 = arith.addi %mul3A_2, %add3A_497 : i32
    %dma_start3A_499 = arith.constant 0 : i32
    %dma_start3A_500 = tpu.memref_slice %arg4[%add3A_498, %dma_start3A_499] : memref<100000x128xf32, #tpu.memory_space<hbm>> -> memref<112x128xf32, #tpu.memory_space<hbm>>
    %dma_start3A_501 = arith.constant 0 : i32
    %dma_start3A_502 = tpu.memref_slice %arg4[%add3A_498, %dma_start3A_501] : memref<100000x128xf32, #tpu.memory_space<hbm>> -> memref<112x128xf32, #tpu.memory_space<hbm>>
    tpu.enqueue_dma source(%arg10 : memref<112x128xf32, #tpu.memory_space<vmem>>) target(%dma_start3A_502 : memref<112x128xf32, #tpu.memory_space<hbm>>) target_semaphore(%arg18 : memref<!tpu.dma_semaphore, #tpu.memory_space<semaphore_mem>>)
    %dma_wait3A_503 = arith.constant 2688 : i32
    %dma_wait3A_504 = tpu.memref_slice %arg6[%dma_wait3A_503] : memref<3128xi32, #tpu.memory_space<vmem>> -> memref<112xi32, #tpu.memory_space<vmem>>
    %dma_wait3A_505 = arith.constant 0 : i32
    %dma_wait3A_506 = arith.constant 0 : i32
    %dma_wait3A_507 = tpu.memref_slice %arg5[%dma_wait3A_505, %dma_wait3A_506] : memref<9x128xf32, #tpu.memory_space<vmem_shared>> -> memref<9x128xf32, #tpu.memory_space<vmem_shared>>
    tpu.wait_indirect_dma semaphore(%arg11 : memref<!tpu.dma_semaphore, #tpu.memory_space<semaphore_mem>>) src(%dma_wait3A_507 : memref<9x128xf32, #tpu.memory_space<vmem_shared>>) dst(%arg7 : memref<112x128xf32, #tpu.memory_space<vmem>>)
    %add3A_508 = arith.constant 2688 : i32
    %add3A_509 = arith.addi %mul3A_2, %add3A_508 : i32
    %dma_start3A_510 = arith.constant 0 : i32
    %dma_start3A_511 = tpu.memref_slice %arg4[%add3A_509, %dma_start3A_510] : memref<100000x128xf32, #tpu.memory_space<hbm>> -> memref<112x128xf32, #tpu.memory_space<hbm>>
    %dma_start3A_512 = arith.constant 0 : i32
    %dma_start3A_513 = tpu.memref_slice %arg4[%add3A_509, %dma_start3A_512] : memref<100000x128xf32, #tpu.memory_space<hbm>> -> memref<112x128xf32, #tpu.memory_space<hbm>>
    tpu.enqueue_dma source(%arg7 : memref<112x128xf32, #tpu.memory_space<vmem>>) target(%dma_start3A_513 : memref<112x128xf32, #tpu.memory_space<hbm>>) target_semaphore(%arg15 : memref<!tpu.dma_semaphore, #tpu.memory_space<semaphore_mem>>)
    %dma_wait3A_514 = arith.constant 2800 : i32
    %dma_wait3A_515 = tpu.memref_slice %arg6[%dma_wait3A_514] : memref<3128xi32, #tpu.memory_space<vmem>> -> memref<112xi32, #tpu.memory_space<vmem>>
    %dma_wait3A_516 = arith.constant 0 : i32
    %dma_wait3A_517 = arith.constant 0 : i32
    %dma_wait3A_518 = tpu.memref_slice %arg5[%dma_wait3A_516, %dma_wait3A_517] : memref<9x128xf32, #tpu.memory_space<vmem_shared>> -> memref<9x128xf32, #tpu.memory_space<vmem_shared>>
    tpu.wait_indirect_dma semaphore(%arg12 : memref<!tpu.dma_semaphore, #tpu.memory_space<semaphore_mem>>) src(%dma_wait3A_518 : memref<9x128xf32, #tpu.memory_space<vmem_shared>>) dst(%arg8 : memref<112x128xf32, #tpu.memory_space<vmem>>)
    %add3A_519 = arith.constant 2800 : i32
    %add3A_520 = arith.addi %mul3A_2, %add3A_519 : i32
    %dma_start3A_521 = arith.constant 0 : i32
    %dma_start3A_522 = tpu.memref_slice %arg4[%add3A_520, %dma_start3A_521] : memref<100000x128xf32, #tpu.memory_space<hbm>> -> memref<112x128xf32, #tpu.memory_space<hbm>>
    %dma_start3A_523 = arith.constant 0 : i32
    %dma_start3A_524 = tpu.memref_slice %arg4[%add3A_520, %dma_start3A_523] : memref<100000x128xf32, #tpu.memory_space<hbm>> -> memref<112x128xf32, #tpu.memory_space<hbm>>
    tpu.enqueue_dma source(%arg8 : memref<112x128xf32, #tpu.memory_space<vmem>>) target(%dma_start3A_524 : memref<112x128xf32, #tpu.memory_space<hbm>>) target_semaphore(%arg16 : memref<!tpu.dma_semaphore, #tpu.memory_space<semaphore_mem>>)
    %dma_wait3A_525 = arith.constant 2912 : i32
    %dma_wait3A_526 = tpu.memref_slice %arg6[%dma_wait3A_525] : memref<3128xi32, #tpu.memory_space<vmem>> -> memref<112xi32, #tpu.memory_space<vmem>>
    %dma_wait3A_527 = arith.constant 0 : i32
    %dma_wait3A_528 = arith.constant 0 : i32
    %dma_wait3A_529 = tpu.memref_slice %arg5[%dma_wait3A_527, %dma_wait3A_528] : memref<9x128xf32, #tpu.memory_space<vmem_shared>> -> memref<9x128xf32, #tpu.memory_space<vmem_shared>>
    tpu.wait_indirect_dma semaphore(%arg13 : memref<!tpu.dma_semaphore, #tpu.memory_space<semaphore_mem>>) src(%dma_wait3A_529 : memref<9x128xf32, #tpu.memory_space<vmem_shared>>) dst(%arg9 : memref<112x128xf32, #tpu.memory_space<vmem>>)
    %add3A_530 = arith.constant 2912 : i32
    %add3A_531 = arith.addi %mul3A_2, %add3A_530 : i32
    %dma_start3A_532 = arith.constant 0 : i32
    %dma_start3A_533 = tpu.memref_slice %arg4[%add3A_531, %dma_start3A_532] : memref<100000x128xf32, #tpu.memory_space<hbm>> -> memref<112x128xf32, #tpu.memory_space<hbm>>
    %dma_start3A_534 = arith.constant 0 : i32
    %dma_start3A_535 = tpu.memref_slice %arg4[%add3A_531, %dma_start3A_534] : memref<100000x128xf32, #tpu.memory_space<hbm>> -> memref<112x128xf32, #tpu.memory_space<hbm>>
    tpu.enqueue_dma source(%arg9 : memref<112x128xf32, #tpu.memory_space<vmem>>) target(%dma_start3A_535 : memref<112x128xf32, #tpu.memory_space<hbm>>) target_semaphore(%arg17 : memref<!tpu.dma_semaphore, #tpu.memory_space<semaphore_mem>>)
    %dma_wait3A_536 = arith.constant 0 : i32
    %dma_wait3A_537 = tpu.memref_slice %arg4[%add3A_498, %dma_wait3A_536] : memref<100000x128xf32, #tpu.memory_space<hbm>> -> memref<112x128xf32, #tpu.memory_space<hbm>>
    %dma_wait3A_538 = arith.constant 0 : i32
    %dma_wait3A_539 = tpu.memref_slice %arg4[%add3A_498, %dma_wait3A_538] : memref<100000x128xf32, #tpu.memory_space<hbm>> -> memref<112x128xf32, #tpu.memory_space<hbm>>
    tpu.wait_dma2 semaphore(%arg18 : memref<!tpu.dma_semaphore, #tpu.memory_space<semaphore_mem>>) src(%arg10 : memref<112x128xf32, #tpu.memory_space<vmem>>) dst(%dma_wait3A_539 : memref<112x128xf32, #tpu.memory_space<hbm>>)
    %dma_wait3A_540 = arith.constant 0 : i32
    %dma_wait3A_541 = tpu.memref_slice %arg4[%add3A_509, %dma_wait3A_540] : memref<100000x128xf32, #tpu.memory_space<hbm>> -> memref<112x128xf32, #tpu.memory_space<hbm>>
    %dma_wait3A_542 = arith.constant 0 : i32
    %dma_wait3A_543 = tpu.memref_slice %arg4[%add3A_509, %dma_wait3A_542] : memref<100000x128xf32, #tpu.memory_space<hbm>> -> memref<112x128xf32, #tpu.memory_space<hbm>>
    tpu.wait_dma2 semaphore(%arg15 : memref<!tpu.dma_semaphore, #tpu.memory_space<semaphore_mem>>) src(%arg7 : memref<112x128xf32, #tpu.memory_space<vmem>>) dst(%dma_wait3A_543 : memref<112x128xf32, #tpu.memory_space<hbm>>)
    %dma_wait3A_544 = arith.constant 0 : i32
    %dma_wait3A_545 = tpu.memref_slice %arg4[%add3A_520, %dma_wait3A_544] : memref<100000x128xf32, #tpu.memory_space<hbm>> -> memref<112x128xf32, #tpu.memory_space<hbm>>
    %dma_wait3A_546 = arith.constant 0 : i32
    %dma_wait3A_547 = tpu.memref_slice %arg4[%add3A_520, %dma_wait3A_546] : memref<100000x128xf32, #tpu.memory_space<hbm>> -> memref<112x128xf32, #tpu.memory_space<hbm>>
    tpu.wait_dma2 semaphore(%arg16 : memref<!tpu.dma_semaphore, #tpu.memory_space<semaphore_mem>>) src(%arg8 : memref<112x128xf32, #tpu.memory_space<vmem>>) dst(%dma_wait3A_547 : memref<112x128xf32, #tpu.memory_space<hbm>>)
    %dma_wait3A_548 = arith.constant 0 : i32
    %dma_wait3A_549 = tpu.memref_slice %arg4[%add3A_531, %dma_wait3A_548] : memref<100000x128xf32, #tpu.memory_space<hbm>> -> memref<112x128xf32, #tpu.memory_space<hbm>>
    %dma_wait3A_550 = arith.constant 0 : i32
    %dma_wait3A_551 = tpu.memref_slice %arg4[%add3A_531, %dma_wait3A_550] : memref<100000x128xf32, #tpu.memory_space<hbm>> -> memref<112x128xf32, #tpu.memory_space<hbm>>
    tpu.wait_dma2 semaphore(%arg17 : memref<!tpu.dma_semaphore, #tpu.memory_space<semaphore_mem>>) src(%arg9 : memref<112x128xf32, #tpu.memory_space<vmem>>) dst(%dma_wait3A_551 : memref<112x128xf32, #tpu.memory_space<hbm>>)
    %lt3A_552 = arith.constant 31 : i32
    %lt3A_553 = arith.cmpi slt, %add3A, %lt3A_552 : i32
    %convert_element_type3A_554 = arith.extui %lt3A_553 : i1 to i32
    %cond3A_555 = arith.constant 0 : i32
    %cond3A_556 = arith.cmpi ne, %convert_element_type3A_554, %cond3A_555 : i32
    scf.if %cond3A_556 {
      %dma_start3A_562 = arith.constant 0 : i32
      %dma_start3A_563 = arith.constant 0 : i32
      %dma_start3A_564 = tpu.memref_slice %arg7[%dma_start3A_562, %dma_start3A_563] : memref<112x128xf32, #tpu.memory_space<vmem>> -> memref<104x128xf32, #tpu.memory_space<vmem>>
      %dma_start3A_565 = arith.constant 3024 : i32
      %dma_start3A_566 = tpu.memref_slice %arg6[%dma_start3A_565] : memref<3128xi32, #tpu.memory_space<vmem>> -> memref<104xi32, #tpu.memory_space<vmem>>
      %dma_start3A_567 = arith.constant 0 : i32
      %dma_start3A_568 = arith.constant 0 : i32
      %dma_start3A_569 = tpu.memref_slice %arg5[%dma_start3A_567, %dma_start3A_568] : memref<9x128xf32, #tpu.memory_space<vmem_shared>> -> memref<9x128xf32, #tpu.memory_space<vmem_shared>>
      tpu.enqueue_indirect_dma source(%dma_start3A_569 : memref<9x128xf32, #tpu.memory_space<vmem_shared>>) target(%dma_start3A_564 : memref<104x128xf32, #tpu.memory_space<vmem>>) offsets(%dma_start3A_566 : memref<104xi32, #tpu.memory_space<vmem>>) semaphore(%arg11 : memref<!tpu.dma_semaphore, #tpu.memory_space<semaphore_mem>>)
      %dma_wait3A_570 = arith.constant 0 : i32
      %dma_wait3A_571 = arith.constant 0 : i32
      %dma_wait3A_572 = tpu.memref_slice %arg7[%dma_wait3A_570, %dma_wait3A_571] : memref<112x128xf32, #tpu.memory_space<vmem>> -> memref<104x128xf32, #tpu.memory_space<vmem>>
      %dma_wait3A_573 = arith.constant 3024 : i32
      %dma_wait3A_574 = tpu.memref_slice %arg6[%dma_wait3A_573] : memref<3128xi32, #tpu.memory_space<vmem>> -> memref<104xi32, #tpu.memory_space<vmem>>
      %dma_wait3A_575 = arith.constant 0 : i32
      %dma_wait3A_576 = arith.constant 0 : i32
      %dma_wait3A_577 = tpu.memref_slice %arg5[%dma_wait3A_575, %dma_wait3A_576] : memref<9x128xf32, #tpu.memory_space<vmem_shared>> -> memref<9x128xf32, #tpu.memory_space<vmem_shared>>
      tpu.wait_indirect_dma semaphore(%arg11 : memref<!tpu.dma_semaphore, #tpu.memory_space<semaphore_mem>>) src(%dma_wait3A_577 : memref<9x128xf32, #tpu.memory_space<vmem_shared>>) dst(%dma_wait3A_572 : memref<104x128xf32, #tpu.memory_space<vmem>>)
      %add3A_578 = arith.constant 3024 : i32
      %add3A_579 = arith.addi %mul3A_2, %add3A_578 : i32
      "tpu.region"() ({
        %run_scoped3A = tpu.sem_alloc : memref<!tpu.dma_semaphore, #tpu.memory_space<semaphore_mem>>
        %dma_start3A_580 = arith.constant 0 : i32
        %dma_start3A_581 = arith.constant 0 : i32
        %dma_start3A_582 = tpu.memref_slice %arg7[%dma_start3A_580, %dma_start3A_581] : memref<112x128xf32, #tpu.memory_space<vmem>> -> memref<104x128xf32, #tpu.memory_space<vmem>>
        %dma_start3A_583 = arith.constant 0 : i32
        %dma_start3A_584 = tpu.memref_slice %arg4[%add3A_579, %dma_start3A_583] : memref<100000x128xf32, #tpu.memory_space<hbm>> -> memref<104x128xf32, #tpu.memory_space<hbm>>
        %dma_start3A_585 = arith.constant 0 : i32
        %dma_start3A_586 = tpu.memref_slice %arg4[%add3A_579, %dma_start3A_585] : memref<100000x128xf32, #tpu.memory_space<hbm>> -> memref<104x128xf32, #tpu.memory_space<hbm>>
        %dma_start3A_587 = arith.constant 0 : i32
        %dma_start3A_588 = arith.constant 0 : i32
        %dma_start3A_589 = tpu.memref_slice %arg7[%dma_start3A_587, %dma_start3A_588] : memref<112x128xf32, #tpu.memory_space<vmem>> -> memref<104x128xf32, #tpu.memory_space<vmem>>
        tpu.enqueue_dma source(%dma_start3A_589 : memref<104x128xf32, #tpu.memory_space<vmem>>) target(%dma_start3A_586 : memref<104x128xf32, #tpu.memory_space<hbm>>) target_semaphore(%run_scoped3A : memref<!tpu.dma_semaphore, #tpu.memory_space<semaphore_mem>>)
        %dma_wait3A_590 = arith.constant 0 : i32
        %dma_wait3A_591 = arith.constant 0 : i32
        %dma_wait3A_592 = tpu.memref_slice %arg7[%dma_wait3A_590, %dma_wait3A_591] : memref<112x128xf32, #tpu.memory_space<vmem>> -> memref<104x128xf32, #tpu.memory_space<vmem>>
        %dma_wait3A_593 = arith.constant 0 : i32
        %dma_wait3A_594 = tpu.memref_slice %arg4[%add3A_579, %dma_wait3A_593] : memref<100000x128xf32, #tpu.memory_space<hbm>> -> memref<104x128xf32, #tpu.memory_space<hbm>>
        %dma_wait3A_595 = arith.constant 0 : i32
        %dma_wait3A_596 = tpu.memref_slice %arg4[%add3A_579, %dma_wait3A_595] : memref<100000x128xf32, #tpu.memory_space<hbm>> -> memref<104x128xf32, #tpu.memory_space<hbm>>
        %dma_wait3A_597 = arith.constant 0 : i32
        %dma_wait3A_598 = arith.constant 0 : i32
        %dma_wait3A_599 = tpu.memref_slice %arg7[%dma_wait3A_597, %dma_wait3A_598] : memref<112x128xf32, #tpu.memory_space<vmem>> -> memref<104x128xf32, #tpu.memory_space<vmem>>
        tpu.wait_dma2 semaphore(%run_scoped3A : memref<!tpu.dma_semaphore, #tpu.memory_space<semaphore_mem>>) src(%dma_wait3A_599 : memref<104x128xf32, #tpu.memory_space<vmem>>) dst(%dma_wait3A_596 : memref<104x128xf32, #tpu.memory_space<hbm>>)
        tpu.yield
      }) : () -> ()
    } else {
    }
    %eq3A_557 = arith.constant 31 : i32
    %eq3A_558 = arith.cmpi eq, %add3A, %eq3A_557 : i32
    %convert_element_type3A_559 = arith.extui %eq3A_558 : i1 to i32
    %cond3A_560 = arith.constant 0 : i32
    %cond3A_561 = arith.cmpi ne, %convert_element_type3A_559, %cond3A_560 : i32
    scf.if %cond3A_561 {
      %dma_start3A_562 = arith.constant 0 : i32
      %dma_start3A_563 = arith.constant 0 : i32
      %dma_start3A_564 = tpu.memref_slice %arg8[%dma_start3A_562, %dma_start3A_563] : memref<112x128xf32, #tpu.memory_space<vmem>> -> memref<8x128xf32, #tpu.memory_space<vmem>>
      %dma_start3A_565 = arith.constant 3024 : i32
      %dma_start3A_566 = tpu.memref_slice %arg6[%dma_start3A_565] : memref<3128xi32, #tpu.memory_space<vmem>> -> memref<8xi32, #tpu.memory_space<vmem>>
      %dma_start3A_567 = arith.constant 0 : i32
      %dma_start3A_568 = arith.constant 0 : i32
      %dma_start3A_569 = tpu.memref_slice %arg5[%dma_start3A_567, %dma_start3A_568] : memref<9x128xf32, #tpu.memory_space<vmem_shared>> -> memref<9x128xf32, #tpu.memory_space<vmem_shared>>
      tpu.enqueue_indirect_dma source(%dma_start3A_569 : memref<9x128xf32, #tpu.memory_space<vmem_shared>>) target(%dma_start3A_564 : memref<8x128xf32, #tpu.memory_space<vmem>>) offsets(%dma_start3A_566 : memref<8xi32, #tpu.memory_space<vmem>>) semaphore(%arg12 : memref<!tpu.dma_semaphore, #tpu.memory_space<semaphore_mem>>)
      %dma_wait3A_570 = arith.constant 0 : i32
      %dma_wait3A_571 = arith.constant 0 : i32
      %dma_wait3A_572 = tpu.memref_slice %arg8[%dma_wait3A_570, %dma_wait3A_571] : memref<112x128xf32, #tpu.memory_space<vmem>> -> memref<8x128xf32, #tpu.memory_space<vmem>>
      %dma_wait3A_573 = arith.constant 3024 : i32
      %dma_wait3A_574 = tpu.memref_slice %arg6[%dma_wait3A_573] : memref<3128xi32, #tpu.memory_space<vmem>> -> memref<8xi32, #tpu.memory_space<vmem>>
      %dma_wait3A_575 = arith.constant 0 : i32
      %dma_wait3A_576 = arith.constant 0 : i32
      %dma_wait3A_577 = tpu.memref_slice %arg5[%dma_wait3A_575, %dma_wait3A_576] : memref<9x128xf32, #tpu.memory_space<vmem_shared>> -> memref<9x128xf32, #tpu.memory_space<vmem_shared>>
      tpu.wait_indirect_dma semaphore(%arg12 : memref<!tpu.dma_semaphore, #tpu.memory_space<semaphore_mem>>) src(%dma_wait3A_577 : memref<9x128xf32, #tpu.memory_space<vmem_shared>>) dst(%dma_wait3A_572 : memref<8x128xf32, #tpu.memory_space<vmem>>)
      %add3A_578 = arith.constant 3024 : i32
      %add3A_579 = arith.addi %mul3A_2, %add3A_578 : i32
      "tpu.region"() ({
        %run_scoped3A = tpu.sem_alloc : memref<!tpu.dma_semaphore, #tpu.memory_space<semaphore_mem>>
        %dma_start3A_580 = arith.constant 0 : i32
        %dma_start3A_581 = arith.constant 0 : i32
        %dma_start3A_582 = tpu.memref_slice %arg8[%dma_start3A_580, %dma_start3A_581] : memref<112x128xf32, #tpu.memory_space<vmem>> -> memref<8x128xf32, #tpu.memory_space<vmem>>
        %dma_start3A_583 = arith.constant 0 : i32
        %dma_start3A_584 = tpu.memref_slice %arg4[%add3A_579, %dma_start3A_583] : memref<100000x128xf32, #tpu.memory_space<hbm>> -> memref<8x128xf32, #tpu.memory_space<hbm>>
        %dma_start3A_585 = arith.constant 0 : i32
        %dma_start3A_586 = tpu.memref_slice %arg4[%add3A_579, %dma_start3A_585] : memref<100000x128xf32, #tpu.memory_space<hbm>> -> memref<8x128xf32, #tpu.memory_space<hbm>>
        %dma_start3A_587 = arith.constant 0 : i32
        %dma_start3A_588 = arith.constant 0 : i32
        %dma_start3A_589 = tpu.memref_slice %arg8[%dma_start3A_587, %dma_start3A_588] : memref<112x128xf32, #tpu.memory_space<vmem>> -> memref<8x128xf32, #tpu.memory_space<vmem>>
        tpu.enqueue_dma source(%dma_start3A_589 : memref<8x128xf32, #tpu.memory_space<vmem>>) target(%dma_start3A_586 : memref<8x128xf32, #tpu.memory_space<hbm>>) target_semaphore(%run_scoped3A : memref<!tpu.dma_semaphore, #tpu.memory_space<semaphore_mem>>)
        %dma_wait3A_590 = arith.constant 0 : i32
        %dma_wait3A_591 = arith.constant 0 : i32
        %dma_wait3A_592 = tpu.memref_slice %arg8[%dma_wait3A_590, %dma_wait3A_591] : memref<112x128xf32, #tpu.memory_space<vmem>> -> memref<8x128xf32, #tpu.memory_space<vmem>>
        %dma_wait3A_593 = arith.constant 0 : i32
        %dma_wait3A_594 = tpu.memref_slice %arg4[%add3A_579, %dma_wait3A_593] : memref<100000x128xf32, #tpu.memory_space<hbm>> -> memref<8x128xf32, #tpu.memory_space<hbm>>
        %dma_wait3A_595 = arith.constant 0 : i32
        %dma_wait3A_596 = tpu.memref_slice %arg4[%add3A_579, %dma_wait3A_595] : memref<100000x128xf32, #tpu.memory_space<hbm>> -> memref<8x128xf32, #tpu.memory_space<hbm>>
        %dma_wait3A_597 = arith.constant 0 : i32
        %dma_wait3A_598 = arith.constant 0 : i32
        %dma_wait3A_599 = tpu.memref_slice %arg8[%dma_wait3A_597, %dma_wait3A_598] : memref<112x128xf32, #tpu.memory_space<vmem>> -> memref<8x128xf32, #tpu.memory_space<vmem>>
        tpu.wait_dma2 semaphore(%run_scoped3A : memref<!tpu.dma_semaphore, #tpu.memory_space<semaphore_mem>>) src(%dma_wait3A_599 : memref<8x128xf32, #tpu.memory_space<vmem>>) dst(%dma_wait3A_596 : memref<8x128xf32, #tpu.memory_space<hbm>>)
        tpu.yield
      }) : () -> ()
    } else {
    }
    return
  }
}

</mosaic_0001>

<sc_bundles>
// kernel: kernel.3.cloned.1.call-start
scs
__scs_entry_jumppad:
0x0: {  	(pc) =	sbr.rel $0x88, $3  }
0x1: {  	(tag) =	ssettag $0x0;
	lr =	simm.s32 $0x1  }
0x2: {  	[smem:$0x3F9F] =	sst lr;
	_ =	strace $0xD0000000  }
0x3: {  	_ = 	snop  }
0x4: {  	_ = 	snop  }
0x5: {  	_ = 	snop  }
0x6: {  	_ = 	snop  }
0x7: {  	_ = 	snop  }
__scs_overlays_trampoline_lowered:
0x8: {  	[smem:$0x3FAE] =	sst s0  }
0x9: {  	[smem:$0x3FAF] =	sst s1  }
0xa: {  	[smem:$0x3FB0] =	sst s2  }
0xb: {  	[smem:$0x3FB1] =	sst s3  }
0xc: {  	[smem:$0x3FB2] =	sst s4  }
0xd: {  	[smem:$0x3FB3] =	sst s5  }
0xe: {  	[smem:$0x3FB4] =	sst s6  }
0xf: {  	[smem:$0x3FB5] =	sst s7  }
0x10: {  	[smem:$0x3FB6] =	sst s8  }
0x11: {  	[smem:$0x3FB7] =	sst s9;
	s0 =	simm.s32 @!p0 $0x0  }
0x12: {  	s1 =	sld [smem:$0x3F9D];
	s0 =	simm.s32 @p0 $0x1  }
0x13: {  	[smem:$0x3FB8] =	sst s0;
	s0 =	simm.s32 @!p1 $0x0  }
0x14: {  	s2 =	sld [smem:$0x3F9C];
	s0 =	simm.s32 @p1 $0x1  }
0x15: {  	[smem:$0x3FB9] =	sst s0;
	s0 =	simm.s32 @!p2 $0x0  }
0x16: {  	s3 =	sld [smem:$0x3FDB];
	s0 =	simm.s32 @p2 $0x1  }
0x17: {  	s4 =	simm.s32 $0x1BF5;
	[smem:$0x3FBB] =	sst s0  }
0x18: {  	s0 =	sld [smem:$0x3F9E];
	_ =	swait.ge [sflag:s4], $0x0  }
0x19: {  	s7 =	sld [smem:$0x3F9F]  }
0x1a: {  	s8 =	sadd.s32 $0xFFFFE003, lr  }
0x1b: {  	s9 =	sadd.s32 $0xFFFFFEF7, lr;
	s5 =	simm.s32 $0xFFFFFFFF;
	p2 =	slt.u32 s8, $0xFFFFF086  }
0x1c: {  	p1 =	slt.u32 s9, $0xF7A;
	s5 =	simm.s32 @!p2 $0x0  }
0x1d: {  	s5 =	simm.s32 @p1 $0x1;
	p0 =	seq.s32 s7, s2  }
0x1e: {  	s7 =	smul.u32 @!p0 $0xF7A, s2;
	p2 =	seq.s32 @!p0 s5, $0x0  }
0x1f: {  	s9 =	smul.u32 $0xF7A, s1;
	s8 =	simm.s32 @!p0 $0x1BF5;
	p2 =	por !p2, p0  }
0x20: {  	[sflag:s8] =	ssyncset.s32 @!p0 $0xFFFFF086;
	s6 =	sadd.s32 @!p0 s3, s7;
	s7 =	simm.s32 @!p0 $0x108  }
0x21: {  	s3 =	sadd.s32 s3, s9;
	s6 =	sadd.s32 @!p0 $0x88, s6;
	s7 =	simm.s32 @p2 $0x1082  }
0x22: {  	[simem:s7], [sflag:s8] =	dma.local @!p0 [hbm:s6], $0xF7A  }
0x23: {  	s9 =	sor.u32 $0xD0000000, s2;
	s6 =	simm.s32 $0x108;
	_ =	swait.ge @!p0 [sflag:s8], $0x0  }
0x24: {  	s3 =	sadd.s32 $0x88, s3;
	s6 =	simm.s32 @!p1 $0x1082;
	[sflag:s4] =	ssyncset.s32 $0xFFFFF086  }
0x25: {  	[simem:s6], [sflag:s4] =	dma.local [hbm:s3], $0xF7A  }
0x26: {  	[smem:$0x3F9F] =	sst s1;
	(tag) =	ssettag s2;
	_ =	strace s9  }
0x27: {  	s1 =	sld [smem:$0x3FAF]  }
0x28: {  	s2 =	sld [smem:$0x3FB0]  }
0x29: {  	s4 =	sld [smem:$0x3FB2]  }
0x2a: {  	p0 =	seq.s32 s5, $0x0;
	s5 =	sld [smem:$0x3FB3]  }
0x2b: {  	s6 =	sld [smem:$0x3FB4]  }
0x2c: {  	s7 =	sld [smem:$0x3FB5]  }
0x2d: {  	s3 =	simm.s32 $0x108;
	s8 =	sld [smem:$0x3FB6]  }
0x2e: {  	s3 =	simm.s32 @!p0 $0x1082;
	s9 =	sld [smem:$0x3FB7]  }
0x2f: {  	lr =	sadd.s32 s0, s3;
	s0 =	sld [smem:$0x3FAE]  }
0x30: {  	s3 =	sld [smem:$0x3FB1]  }
0x31: {  	[smem:$0x3FBA] =	sst s10  }
0x32: {  	s10 =	sld [smem:$0x3FB8];
	_ =	sdelay $0x3  }
0x33: {  	p0 =	seq.s32 s10, $0x1;
	s10 =	sld [smem:$0x3FBA];
	_ =	sdelay $0x3  }
0x34: {  	[smem:$0x3FBA] =	sst s10  }
0x35: {  	s10 =	sld [smem:$0x3FB9];
	_ =	sdelay $0x3  }
0x36: {  	p1 =	seq.s32 s10, $0x1;
	s10 =	sld [smem:$0x3FBA];
	_ =	sdelay $0x3  }
0x37: {  	[smem:$0x3FBA] =	sst s10  }
0x38: {  	s10 =	sld [smem:$0x3FBB]  }
0x39: {  	_ = 	snop;
	(pc) =	sbr.ind lr, $3  }
0x3a: {  	_ = 	snop  }
0x3b: {  	_ = 	snop  }
0x3c: {  	p2 =	seq.s32 s10, $0x1;
	s10 =	sld [smem:$0x3FBA]  }
0x3d: {  	_ =	shalt  }
0x3e: {  	_ =	shalt  }
0x3f: {  	_ =	shalt  }
0x40: {  	_ =	shalt  }
0x41: {  	_ =	shalt  }
0x42: {  	_ =	shalt  }
0x43: {  	_ =	shalt  }
0x44: {  	_ =	shalt  }
0x45: {  	_ =	shalt  }
0x46: {  	_ =	shalt  }
0x47: {  	_ =	shalt  }
0x48: {  	_ =	shalt  }
0x49: {  	_ =	shalt  }
0x4a: {  	_ =	shalt  }
0x4b: {  	_ =	shalt  }
0x4c: {  	_ =	shalt  }
0x4d: {  	_ =	shalt  }
0x4e: {  	_ =	shalt  }
0x4f: {  	_ =	shalt  }
0x50: {  	_ =	shalt  }
0x51: {  	_ =	shalt  }
0x52: {  	_ =	shalt  }
0x53: {  	_ =	shalt  }
0x54: {  	_ =	shalt  }
0x55: {  	_ =	shalt  }
0x56: {  	_ =	shalt  }
0x57: {  	_ =	shalt  }
0x58: {  	_ =	shalt  }
0x59: {  	_ =	shalt  }
0x5a: {  	_ =	shalt  }
0x5b: {  	_ =	shalt  }
0x5c: {  	_ =	shalt  }
0x5d: {  	_ =	shalt  }
0x5e: {  	_ =	shalt  }
0x5f: {  	_ =	shalt  }
0x60: {  	_ =	shalt  }
0x61: {  	_ =	shalt  }
0x62: {  	_ =	shalt  }
0x63: {  	_ =	shalt  }
0x64: {  	_ =	shalt  }
0x65: {  	_ =	shalt  }
0x66: {  	_ =	shalt  }
0x67: {  	_ =	shalt  }
0x68: {  	_ =	shalt  }
0x69: {  	_ =	shalt  }
0x6a: {  	_ =	shalt  }
0x6b: {  	_ =	shalt  }
0x6c: {  	_ =	shalt  }
0x6d: {  	_ =	shalt  }
0x6e: {  	_ =	shalt  }
0x6f: {  	_ =	shalt  }
0x70: {  	_ =	shalt  }
0x71: {  	_ =	shalt  }
0x72: {  	_ =	shalt  }
0x73: {  	_ =	shalt  }
0x74: {  	_ =	shalt  }
0x75: {  	_ =	shalt  }
0x76: {  	_ =	shalt  }
0x77: {  	_ =	shalt  }
0x78: {  	_ =	shalt  }
0x79: {  	_ =	shalt  }
0x7a: {  	_ =	shalt  }
0x7b: {  	_ =	shalt  }
0x7c: {  	_ =	shalt  }
0x7d: {  	_ =	shalt  }
0x7e: {  	_ =	shalt  }
0x7f: {  	_ =	shalt  }
0x80: {  	_ =	shalt  }
0x81: {  	_ =	shalt  }
0x82: {  	_ =	shalt  }
0x83: {  	_ =	shalt  }
0x84: {  	_ =	shalt  }
0x85: {  	_ =	shalt  }
0x86: {  	_ =	shalt  }
0x87: {  	_ =	shalt  }
.Lfunc_end0:
.L_simem_size_0:
called_computation_lowered:
.L_overlay_start_0:
0x88: {  	s2 =	sld [smem:$0x3FD9]  }
0x89: {  	s3 =	sld [smem:$0x3FFE];
	_ =	sdelay $0x1  }
0x8a: {  	s1 =	srdreg.scid  }
0x8b: {  	s0 =	sand.u32 $0x1, s1  }
0x8c: {  	s18 =	sshll.u32 s0, $0xA;
	s2 =	sadd.s32 s3, s2  }
0x8d: {  	s2 =	sadd.s32 s2, s18  }
0x8e: {  	[smem:$0x3FC6] =	sst s2  }
0x8f: {  	_ = 	snop  }
0x90: {  	s2 =	sld [smem:$0x3FC9]  }
0x91: {  	s19 =	sld [smem:$0x3FC8]  }
0x92: {  	s4 =	sld [smem:$0x3FD0];
	(tm) =	ssettm $0x1  }
0x93: {  	s5 =	sld [smem:$0x3FFB];
	_ =	sdelay $0x3  }
0x94: {  	_ =	strace s5  }
0x95: {  	s5 =	sld [smem:$0x3FFC];
	_ =	sdelay $0x3  }
0x96: {  	_ =	strace s5  }
0x97: {  	s5 =	sld [smem:$0x3FFD];
	_ =	sdelay $0x3  }
0x98: {  	_ =	strace s5  }
0x99: {  	_ =	strace $0x8FFFFFFF  }
0x9a: {  	s20 =	sld [smem:$0x3FDB];
	_ =	sdelay $0x1  }
0x9b: {  	s6 =	simm.s32 $_scs_section_size  }
0x9c: {  	s7 =	simm.s32 $_size__tile_overlayer_lowered;
	s8 =	simm.s32 $_tile_overlayer_lowered  }
0x9d: {  	s23 =	simm.s32 $0x1BFF;
	s22 =	sshll.u32 s8, $0x1;
	s5 =	sadd.s32 s6, s20  }
0x9e: {  	s9 =	simm.s32 $0x0;
	s21 =	sshll.u32 s7, $0x1;
	s7 =	sadd.s32 s22, s5  }
0x9f: {  	[timem:s9], [sflag:s23] =	dma.local [hbm:s7], s21  }
0xa0: {  	_ =	swait.ge [sflag:s23], s21  }
0xa1: {  	s6 =	ssub.s32 $0x0, s21;
	[sflag:s23] =	ssyncset.done $0x0  }
0xa2: {  	[sflag:s23] =	ssyncadd.s32 s6;
	_ =	sdelay $0x1  }
0xa3: {  	s24 =	simm.s32 $0x1B8B  }
0xa4: {  	_ =	swait.ge [sflag:s24], $0x1  }
0xa5: {  	[sflag:s24] =	ssyncset.done $0x0  }
0xa6: {  	s25 =	simm.s32 $0x1B8E;
	[sflag:s24] =	ssyncadd.s32 $0xFFFFFFFF  }
0xa7: {  	s26 =	simm.s32 $execute0_lowered;
	[smem:$0x3FD2] =	sst s25  }
0xa8: {  	s6 =	sshll.u32 s26, $0x1;
	_ =	strace $0x80000046;
	[dreg:$0x1] =	wrdreg $0xFFFFFFFF  }
0xa9: {  	s28 =	simm.s32 $_size_execute0_lowered;
	s5 =	sadd.s32 s5, s6;
	[dreg:$0x0] =	wrdreg $0x0  }
0xaa: {  	s6 =	sshll.u32 s28, $0x1;
	[dreg:$0x2] =	wrdreg s5  }
0xab: {  	[dreg:$0x3] =	wrdreg s6  }
0xac: {  	[dreg:$0x4] =	wrdreg $0xC0  }
0xad: {  	_ =	task [dreg:s9], $0x5FFFF  }
0xae: {  	[dreg:$0x1] =	wrdreg $0xFFFFFFFF  }
0xaf: {  	[dreg:$0x0] =	wrdreg $0x60  }
0xb0: {  	[dreg:$0x2] =	wrdreg s19  }
0xb1: {  	[dreg:$0x3] =	wrdreg s2  }
0xb2: {  	[dreg:$0x4] =	wrdreg s4  }
0xb3: {  	[dreg:$0x5] =	wrdreg $0x0  }
0xb4: {  	[dreg:$0x6] =	wrdreg $0x9  }
0xb5: {  	_ =	task.clear_ibuf [dreg:s9], $0x7FFFF;
	_ =	strace $0x90000046  }
0xb6: {  	s29 =	simm.s32 $0x9;
	_ =	strace $0x80000048  }
0xb7: {  	_ =	swait.ge [sflag:s29], $0x1  }
0xb8: {  	[sflag:s29] =	ssyncadd.s32 $0xFFFFFFFF  }
0xb9: {  	_ =	strace $0x90000048  }
0xba: {  	_ =	sfence  }
0xbb: {  	s30 =	sld [smem:$0x0];
	_ =	sdelay $0x2  }
0xbc: {  	s31 =	sshll.u32 s1, $0xD;
	s1 =	sshrl.u32 s1, $0x2  }
0xbd: {  	s3 =	sand.u32 $0x4000, s31;
	s1 =	sadd.s32 s1, s30  }
0xbe: {  	s0 =	sor.u32 s3, s0;
	s1 =	sshll.u32 s1, $0x11  }
0xbf: {  	s0 =	sor.u32 s1, s0  }
0xc0: {  	s0 =	sadd.s32 $0x8F2B, s0  }
0xc1: {  	[sflag:s0] =	ssyncadd.remote.s32 $0x1  }
0xc2: {  	_ =	sfence.sel $0xFFFF  }
0xc3: {  	[dreg:$0x0] =	wrdreg $0xFFFFFFFF;
	(pc) =	sbr.abs _section_cstart, $3  }
0xc4: {  	[dreg:$0x1] =	wrdreg $0xFFFFFFFF  }
0xc5: {  	_ =	task.clear_ibuf [dreg:s9], $0x2FFFF;
	_ =	strace $0x9FFFFFFF  }
0xc6: {  	(tm) =	ssettm $0x7FFFFFFF  }
0xc7: {  	_ =	shalt  }
tec
execute0_lowered:
.L_overlay_start_1:
0x0: {  	(tag) =	ssettag $0x1  }
0x1: {  	s0 =	rddreg [dreg:$0x0];
	s1 =	srdreg.scid  }
0x2: {  	[dreg:$0x5] =	wrdreg s0;
	s0 =	stileid.u32  }
0x3: {  	s6 =	rddreg [dreg:$0x1];
	s4 =	sand.u32 $0x1, s1;
	s2 =	sshll.u32 s0, $0x1  }
0x4: {  	s5 =	rddreg [dreg:$0x2];
	s3 =	sor.u32 s4, s2  }
0x5: {  	s21 =	rddreg [dreg:$0x4];
	s7 =	smul.u32 $0x187, s3  }
0x6: {  	s1 =	rddreg [dreg:$0x3];
	s2 =	simm.s32 $0x0;
	s8 =	smul.u32 $0x61C00, s3  }
0x7: {  	[smem:$0x7FF] =	sst s2;
	s9 =	smul.u32 $0xC380, s3;
	s7 =	sadd.s32 s6, s7  }
0x8: {  	_ =	strace $0x80000047;
	s6 =	sadd.s32 $0x2F59, s6;
	[dreg:$0x6] =	wrdreg s7  }
0x9: {  	s18 =	sshrl.u32 s8, $0x3;
	s19 =	sadd.s32 s5, s9;
	[dreg:$0x7] =	wrdreg s6  }
0xa: {  	s7 =	sadd.s32 s5, s18;
	[dreg:$0x8] =	wrdreg s19;
	s5 =	sadd.s32 $0x186980, s5  }
0xb: {  	s6 =	simm.s32 $0x278;
	[smem:$0x7E2] =	sst s5  }
0xc: {  	s20 =	sadd.s32 $0x700, s7;
	[smem:$0x7E8] =	sst s6  }
0xd: {  	s22 =	sadd.s32 $0xE00, s7;
	[dreg:$0x9] =	wrdreg s20  }
0xe: {  	s23 =	sadd.s32 $0x1500, s7;
	[dreg:$0xa] =	wrdreg s22  }
0xf: {  	s24 =	sadd.s32 $0x1C00, s7;
	[dreg:$0xb] =	wrdreg s23  }
0x10: {  	s25 =	sadd.s32 $0x2300, s7;
	[dreg:$0xc] =	wrdreg s24  }
0x11: {  	s26 =	sadd.s32 $0x2A00, s7;
	[dreg:$0xd] =	wrdreg s25  }
0x12: {  	s28 =	sadd.s32 $0x3100, s7;
	[dreg:$0xe] =	wrdreg s26  }
0x13: {  	s29 =	sadd.s32 $0x3800, s7;
	[dreg:$0xf] =	wrdreg s28  }
0x14: {  	s30 =	sadd.s32 $0x3F00, s7;
	[dreg:$0x10] =	wrdreg s29  }
0x15: {  	s31 =	sadd.s32 $0x4600, s7;
	[dreg:$0x11] =	wrdreg s30  }
0x16: {  	s8 =	sadd.s32 $0x4D00, s7;
	[dreg:$0x12] =	wrdreg s31  }
0x17: {  	s9 =	sadd.s32 $0x5400, s7;
	[dreg:$0x13] =	wrdreg s8  }
0x18: {  	s10 =	sadd.s32 $0x5B00, s7;
	[dreg:$0x14] =	wrdreg s9  }
0x19: {  	s11 =	sadd.s32 $0x6200, s7;
	[dreg:$0x15] =	wrdreg s10  }
0x1a: {  	s12 =	sadd.s32 $0x6900, s7;
	[dreg:$0x16] =	wrdreg s11  }
0x1b: {  	s13 =	sadd.s32 $0x7000, s7;
	[dreg:$0x17] =	wrdreg s12  }
0x1c: {  	s14 =	sadd.s32 $0x7700, s7;
	[dreg:$0x18] =	wrdreg s13  }
0x1d: {  	s15 =	sadd.s32 $0x7E00, s7;
	[dreg:$0x19] =	wrdreg s14  }
0x1e: {  	s16 =	sadd.s32 $0x8500, s7;
	[dreg:$0x1a] =	wrdreg s15  }
0x1f: {  	s17 =	sadd.s32 $0x8C00, s7;
	[dreg:$0x1b] =	wrdreg s16  }
0x20: {  	s18 =	sadd.s32 $0x9300, s7;
	[dreg:$0x1c] =	wrdreg s17  }
0x21: {  	s19 =	sadd.s32 $0x9A00, s7;
	[dreg:$0x1d] =	wrdreg s18  }
0x22: {  	[dreg:$0x1e] =	wrdreg s19;
	s20 =	sadd.s32 $0xA100, s7  }
0x23: {  	s22 =	sadd.s32 $0xA800, s7;
	[dreg:$0x1f] =	wrdreg s20  }
0x24: {  	s23 =	sadd.s32 $0xAF00, s7;
	[smem:$0x7DE] =	sst s22  }
0x25: {  	s24 =	sadd.s32 $0xB600, s7;
	[smem:$0x7DF] =	sst s23  }
0x26: {  	s25 =	sadd.s32 $0xBD00, s7;
	[smem:$0x7E0] =	sst s24  }
0x27: {  	s26 =	simm.s32 $0x48;
	[smem:$0x7E1] =	sst s25  }
0x28: {  	s28 =	simm.s32 $0xB8;
	[smem:$0x7E3] =	sst s26  }
0x29: {  	s29 =	simm.s32 $0x128;
	[smem:$0x7E4] =	sst s28  }
0x2a: {  	s30 =	simm.s32 $0x198;
	[smem:$0x7E5] =	sst s29  }
0x2b: {  	s31 =	simm.s32 $0x208;
	[smem:$0x7E6] =	sst s30  }
0x2c: {  	s7 =	simm.s32 $0x2E8;
	[smem:$0x7E7] =	sst s31  }
0x2d: {  	p2 =	por $0x0, $0x0;
	s8 =	simm.s32 $0x358;
	[smem:$0x7E9] =	sst s7  }
0x2e: {  	p0 =	sne.s32 s0, $0x0;
	s9 =	simm.s32 $0x3C8;
	[smem:$0x7EA] =	sst s8  }
0x2f: {  	s4 =	ssub.s32 $0x2, s4;
	s11 =	simm.s32 $0x438;
	[smem:$0x7EB] =	sst s9  }
0x30: {  	p1 =	seq.s32 s3, $0x1F;
	s12 =	simm.s32 $0x4A8;
	[smem:$0x7EC] =	sst s11  }
0x31: {  	s3 =	simm.s32 $0x7CC8;
	s13 =	simm.s32 $0x518;
	[smem:$0x7ED] =	sst s12  }
0x32: {  	s6 =	simm.s32 $0xCC8;
	s15 =	simm.s32 $0x588;
	[smem:$0x7EE] =	sst s13  }
0x33: {  	s5 =	simm.s32 $0x5;
	s16 =	simm.s32 $0x5F8;
	[smem:$0x7EF] =	sst s15  }
0x34: {  	s10 =	sshrl.u32 s4, $0x1;
	s17 =	simm.s32 $0x668;
	[smem:$0x7F0] =	sst s16  }
0x35: {  	s18 =	simm.s32 $0x6D8;
	s19 =	simm.s32 $0x748;
	[smem:$0x7F1] =	sst s17  }
0x36: {  	s4 =	ssub.s32 s4, s10;
	s9 =	simm.s32 $0x70;
	[smem:$0x7F2] =	sst s18  }
0x37: {  	[smem:$0x7F3] =	sst s19;
	s20 =	simm.s32 $0x7B8;
	s11 =	simm.s32 $0xB4C8  }
0x38: {  	s22 =	simm.s32 $0x828;
	s10 =	simm.s32 $0x1;
	[smem:$0x7F4] =	sst s20  }
0x39: {  	s23 =	simm.s32 $0x898;
	s24 =	simm.s32 $0x908;
	[smem:$0x7F5] =	sst s22  }
0x3a: {  	s12 =	simm.s32 $0x2;
	s25 =	simm.s32 $0x978;
	[smem:$0x7F6] =	sst s23  }
0x3b: {  	s7 =	simm.s32 $0x6;
	s14 =	smax.u32 s4, $0x1;
	[smem:$0x7F7] =	sst s24  }
0x3c: {  	s26 =	simm.s32 $0x9E8;
	[smem:$0x7F8] =	sst s25;
	s22 =	sadd.s32 $0xFFFFFFFF, s14  }
0x3d: {  	s28 =	simm.s32 $0xA58;
	[smem:$0x7F9] =	sst s26;
	p3 =	sne.s32 s22, $0x0  }
.Ltmp0:
0x3e: {  	s29 =	simm.s32 $0xAC8;
	[smem:$0x7FA] =	sst s28;
	(pc) =	sbr.rel @!p3 .LBB2_1-.Ltmp0, $4  }
0x3f: {  	s13 =	simm.s32 $0x3;
	s30 =	simm.s32 $0xB38;
	[smem:$0x7FB] =	sst s29  }
0x40: {  	s8 =	simm.s32 $0x7;
	s31 =	simm.s32 $0xBA8;
	[smem:$0x7FC] =	sst s30  }
0x41: {  	s15 =	simm.s32 $0x4;
	s16 =	sshrl.u32 @!p0 s1, $0x3;
	[smem:$0x7FD] =	sst s31  }
0x42: {  	s4 =	simm.s32 $0x44C8;
	s24 =	rddreg [dreg:$0x5];
	s14 =	simm.s32 $0x8  }
0x43: {  	s0 =	simm.s32 @!p0 $0x1C09;
	s18 =	simm.s32 @!p0 $0x9  }
0x44: {  	[spmem:s16], [sflag:s0] =	dma.local @!p0 [hbm:s24], $0x90  }
0x45: {  	_ =	swait.ge @!p0 [sflag:s18], $0x90  }
0x46: {  	s19 =	simm.s32 @p1 $0x9;
	s21 =	simm.s32 @p1 $0x0;
	[sflag:s18] =	ssyncset.done @!p0 $0x0  }
0x47: {  	s17 =	simm.s32 @p1 $0x48;
	s0 =	rddreg [dreg:$0x7];
	[sflag:s18] =	ssyncadd.s32 @!p0 $0xFFFFFF70  }
0x48: {  	[tilespmem:s17], [sflag:$0x9] =	stream.linear.gather @p1 [hbm4b:s0+s21], $0xBD8, $0x38;
	[tilespmem:$0xECC8] =	vst v63  }
0x49: {  	_ =	swait.ge @p1 [sflag:s19], $0xBD8  }
0x4a: {  	s20 =	simm.s32 @!p1 $0x9;
	s23 =	simm.s32 @!p1 $0x0;
	[sflag:s19] =	ssyncset.done @p1 $0x0  }
0x4b: {  	s17 =	simm.s32 @!p1 $0x48;
	s0 =	rddreg [dreg:$0x6];
	[sflag:s19] =	ssyncadd.s32 @p1 $0xFFFFF428  }
0x4c: {  	[tilespmem:s17], [sflag:$0x9] =	stream.linear.gather @!p1 [hbm4b:s0+s23], $0xC38, $0x38;
	[tilespmem:$0xECC8] =	vst v63  }
0x4d: {  	_ =	swait.ge @!p1 [sflag:s20], $0xC38  }
0x4e: {  	[sflag:s20] =	ssyncset.done @!p1 $0x0  }
0x4f: {  	[sflag:s20] =	ssyncadd.s32 @!p1 $0xFFFFF3C8  }
0x50: {  	[bflag:$0x0] =	sbarrier.arrive $0xFFFF  }
0x51: {  	s24 =	sld [smem:$0x7E3];
	_ =	sdelay $0x1  }
0x52: {  	s25 =	sld [smem:$0x7E4]  }
0x53: {  	[tilespmem:s6], [sflag:$0x1] =	stream.indirect.gather [spmem:s1], $0x80, s24, s9, $0xb8;
	[tilespmem:$0xECC8] =	vst v63  }
0x54: {  	s26 =	sld [smem:$0x7E5]  }
0x55: {  	[tilespmem:s4], [sflag:$0x2] =	stream.indirect.gather [spmem:s1], $0x80, s25, s9, $0xb8;
	[tilespmem:$0xECC8] =	vst v63  }
0x56: {  	s28 =	sld [smem:$0x7E6]  }
0x57: {  	[tilespmem:s3], [sflag:$0x3] =	stream.indirect.gather [spmem:s1], $0x80, s26, s9, $0xb8;
	[tilespmem:$0xECC8] =	vst v63  }
0x58: {  	_ = 	snop  }
0x59: {  	[tilespmem:s11], [sflag:$0x4] =	stream.indirect.gather [spmem:s1], $0x80, s28, s9, $0xb8;
	[tilespmem:$0xECC8] =	vst v63  }
0x5a: {  	_ =	swait.ge [sflag:s10], $0x3800  }
0x5b: {  	[sflag:s10] =	ssyncset.done $0x0  }
0x5c: {  	s17 =	rddreg [dreg:$0x8];
	[sflag:s10] =	ssyncadd.s32 $0xFFFFC800  }
0x5d: {  	[hbm4b:s17+s2] =	stream.linear.scatter [tilespmem:s6], [sflag:$0x5], $0x3800, $0x38;
	[tilespmem:$0xECC8] =	vst v63  }
0x5e: {  	_ =	swait.ge [sflag:s5], $0x3800  }
0x5f: {  	s24 =	sld [smem:$0x7E7]  }
0x60: {  	[sflag:s5] =	ssyncset.done $0x0  }
0x61: {  	[sflag:s5] =	ssyncadd.s32 $0xFFFFC800  }
0x62: {  	[tilespmem:s6], [sflag:$0x1] =	stream.indirect.gather [spmem:s1], $0x80, s24, s9, $0xb8;
	[tilespmem:$0xECC8] =	vst v63  }
0x63: {  	_ =	swait.ge [sflag:s12], $0x3800  }
0x64: {  	[sflag:s12] =	ssyncset.done $0x0  }
0x65: {  	s25 =	rddreg [dreg:$0x9];
	[sflag:s12] =	ssyncadd.s32 $0xFFFFC800  }
0x66: {  	[hbm4b:s25+s2] =	stream.linear.scatter [tilespmem:s4], [sflag:$0x6], $0x3800, $0x38;
	[tilespmem:$0xECC8] =	vst v63  }
0x67: {  	_ =	swait.ge [sflag:s7], $0x3800  }
0x68: {  	s26 =	sld [smem:$0x7E8]  }
0x69: {  	[sflag:s7] =	ssyncset.done $0x0  }
0x6a: {  	[sflag:s7] =	ssyncadd.s32 $0xFFFFC800  }
0x6b: {  	[tilespmem:s4], [sflag:$0x2] =	stream.indirect.gather [spmem:s1], $0x80, s26, s9, $0xb8;
	[tilespmem:$0xECC8] =	vst v63  }
0x6c: {  	_ =	swait.ge [sflag:s13], $0x3800  }
0x6d: {  	[sflag:s13] =	ssyncset.done $0x0  }
0x6e: {  	s28 =	rddreg [dreg:$0xa];
	[sflag:s13] =	ssyncadd.s32 $0xFFFFC800  }
0x6f: {  	[hbm4b:s28+s2] =	stream.linear.scatter [tilespmem:s3], [sflag:$0x7], $0x3800, $0x38;
	[tilespmem:$0xECC8] =	vst v63  }
0x70: {  	_ =	swait.ge [sflag:s8], $0x3800  }
0x71: {  	s17 =	sld [smem:$0x7E9]  }
0x72: {  	[sflag:s8] =	ssyncset.done $0x0  }
0x73: {  	[sflag:s8] =	ssyncadd.s32 $0xFFFFC800  }
0x74: {  	[tilespmem:s3], [sflag:$0x3] =	stream.indirect.gather [spmem:s1], $0x80, s17, s9, $0xb8;
	[tilespmem:$0xECC8] =	vst v63  }
0x75: {  	_ =	swait.ge [sflag:s15], $0x3800  }
0x76: {  	[sflag:s15] =	ssyncset.done $0x0  }
0x77: {  	s24 =	rddreg [dreg:$0xb];
	[sflag:s15] =	ssyncadd.s32 $0xFFFFC800  }
0x78: {  	[hbm4b:s24+s2] =	stream.linear.scatter [tilespmem:s11], [sflag:$0x8], $0x3800, $0x38;
	[tilespmem:$0xECC8] =	vst v63  }
0x79: {  	_ =	swait.ge [sflag:s14], $0x3800  }
0x7a: {  	s25 =	sld [smem:$0x7EA]  }
0x7b: {  	[sflag:s14] =	ssyncset.done $0x0  }
0x7c: {  	[sflag:s14] =	ssyncadd.s32 $0xFFFFC800  }
0x7d: {  	[tilespmem:s11], [sflag:$0x4] =	stream.indirect.gather [spmem:s1], $0x80, s25, s9, $0xb8;
	[tilespmem:$0xECC8] =	vst v63  }
0x7e: {  	_ =	swait.ge [sflag:s10], $0x3800  }
0x7f: {  	[sflag:s10] =	ssyncset.done $0x0  }
0x80: {  	s26 =	rddreg [dreg:$0xc];
	[sflag:s10] =	ssyncadd.s32 $0xFFFFC800  }
0x81: {  	[hbm4b:s26+s2] =	stream.linear.scatter [tilespmem:s6], [sflag:$0x5], $0x3800, $0x38;
	[tilespmem:$0xECC8] =	vst v63  }
0x82: {  	_ =	swait.ge [sflag:s5], $0x3800  }
0x83: {  	s28 =	sld [smem:$0x7EB]  }
0x84: {  	[sflag:s5] =	ssyncset.done $0x0  }
0x85: {  	[sflag:s5] =	ssyncadd.s32 $0xFFFFC800  }
0x86: {  	[tilespmem:s6], [sflag:$0x1] =	stream.indirect.gather [spmem:s1], $0x80, s28, s9, $0xb8;
	[tilespmem:$0xECC8] =	vst v63  }
0x87: {  	_ =	swait.ge [sflag:s12], $0x3800  }
0x88: {  	[sflag:s12] =	ssyncset.done $0x0  }
0x89: {  	s17 =	rddreg [dreg:$0xd];
	[sflag:s12] =	ssyncadd.s32 $0xFFFFC800  }
0x8a: {  	[hbm4b:s17+s2] =	stream.linear.scatter [tilespmem:s4], [sflag:$0x6], $0x3800, $0x38;
	[tilespmem:$0xECC8] =	vst v63  }
0x8b: {  	_ =	swait.ge [sflag:s7], $0x3800  }
0x8c: {  	s24 =	sld [smem:$0x7EC]  }
0x8d: {  	[sflag:s7] =	ssyncset.done $0x0  }
0x8e: {  	[sflag:s7] =	ssyncadd.s32 $0xFFFFC800  }
0x8f: {  	[tilespmem:s4], [sflag:$0x2] =	stream.indirect.gather [spmem:s1], $0x80, s24, s9, $0xb8;
	[tilespmem:$0xECC8] =	vst v63  }
0x90: {  	_ =	swait.ge [sflag:s13], $0x3800  }
0x91: {  	[sflag:s13] =	ssyncset.done $0x0  }
0x92: {  	s25 =	rddreg [dreg:$0xe];
	[sflag:s13] =	ssyncadd.s32 $0xFFFFC800  }
0x93: {  	[hbm4b:s25+s2] =	stream.linear.scatter [tilespmem:s3], [sflag:$0x7], $0x3800, $0x38;
	[tilespmem:$0xECC8] =	vst v63  }
0x94: {  	_ =	swait.ge [sflag:s8], $0x3800  }
0x95: {  	s26 =	sld [smem:$0x7ED]  }
0x96: {  	[sflag:s8] =	ssyncset.done $0x0  }
0x97: {  	[sflag:s8] =	ssyncadd.s32 $0xFFFFC800  }
0x98: {  	[tilespmem:s3], [sflag:$0x3] =	stream.indirect.gather [spmem:s1], $0x80, s26, s9, $0xb8;
	[tilespmem:$0xECC8] =	vst v63  }
0x99: {  	_ =	swait.ge [sflag:s15], $0x3800  }
0x9a: {  	[sflag:s15] =	ssyncset.done $0x0  }
0x9b: {  	s28 =	rddreg [dreg:$0xf];
	[sflag:s15] =	ssyncadd.s32 $0xFFFFC800  }
0x9c: {  	[hbm4b:s28+s2] =	stream.linear.scatter [tilespmem:s11], [sflag:$0x8], $0x3800, $0x38;
	[tilespmem:$0xECC8] =	vst v63  }
0x9d: {  	_ =	swait.ge [sflag:s14], $0x3800  }
0x9e: {  	s17 =	sld [smem:$0x7EE]  }
0x9f: {  	[sflag:s14] =	ssyncset.done $0x0  }
0xa0: {  	[sflag:s14] =	ssyncadd.s32 $0xFFFFC800  }
0xa1: {  	[tilespmem:s11], [sflag:$0x4] =	stream.indirect.gather [spmem:s1], $0x80, s17, s9, $0xb8;
	[tilespmem:$0xECC8] =	vst v63  }
0xa2: {  	_ =	swait.ge [sflag:s10], $0x3800  }
0xa3: {  	[sflag:s10] =	ssyncset.done $0x0  }
0xa4: {  	s24 =	rddreg [dreg:$0x10];
	[sflag:s10] =	ssyncadd.s32 $0xFFFFC800  }
0xa5: {  	[hbm4b:s24+s2] =	stream.linear.scatter [tilespmem:s6], [sflag:$0x5], $0x3800, $0x38;
	[tilespmem:$0xECC8] =	vst v63  }
0xa6: {  	_ =	swait.ge [sflag:s5], $0x3800  }
0xa7: {  	s25 =	sld [smem:$0x7EF]  }
0xa8: {  	[sflag:s5] =	ssyncset.done $0x0  }
0xa9: {  	[sflag:s5] =	ssyncadd.s32 $0xFFFFC800  }
0xaa: {  	[tilespmem:s6], [sflag:$0x1] =	stream.indirect.gather [spmem:s1], $0x80, s25, s9, $0xb8;
	[tilespmem:$0xECC8] =	vst v63  }
0xab: {  	_ =	swait.ge [sflag:s12], $0x3800  }
0xac: {  	[sflag:s12] =	ssyncset.done $0x0  }
0xad: {  	s26 =	rddreg [dreg:$0x11];
	[sflag:s12] =	ssyncadd.s32 $0xFFFFC800  }
0xae: {  	[hbm4b:s26+s2] =	stream.linear.scatter [tilespmem:s4], [sflag:$0x6], $0x3800, $0x38;
	[tilespmem:$0xECC8] =	vst v63  }
0xaf: {  	_ =	swait.ge [sflag:s7], $0x3800  }
0xb0: {  	s28 =	sld [smem:$0x7F0]  }
0xb1: {  	[sflag:s7] =	ssyncset.done $0x0  }
0xb2: {  	[sflag:s7] =	ssyncadd.s32 $0xFFFFC800  }
0xb3: {  	[tilespmem:s4], [sflag:$0x2] =	stream.indirect.gather [spmem:s1], $0x80, s28, s9, $0xb8;
	[tilespmem:$0xECC8] =	vst v63  }
0xb4: {  	_ =	swait.ge [sflag:s13], $0x3800  }
0xb5: {  	[sflag:s13] =	ssyncset.done $0x0  }
0xb6: {  	s17 =	rddreg [dreg:$0x12];
	[sflag:s13] =	ssyncadd.s32 $0xFFFFC800  }
0xb7: {  	[hbm4b:s17+s2] =	stream.linear.scatter [tilespmem:s3], [sflag:$0x7], $0x3800, $0x38;
	[tilespmem:$0xECC8] =	vst v63  }
0xb8: {  	_ =	swait.ge [sflag:s8], $0x3800  }
0xb9: {  	s24 =	sld [smem:$0x7F1]  }
0xba: {  	[sflag:s8] =	ssyncset.done $0x0  }
0xbb: {  	[sflag:s8] =	ssyncadd.s32 $0xFFFFC800  }
0xbc: {  	[tilespmem:s3], [sflag:$0x3] =	stream.indirect.gather [spmem:s1], $0x80, s24, s9, $0xb8;
	[tilespmem:$0xECC8] =	vst v63  }
0xbd: {  	_ =	swait.ge [sflag:s15], $0x3800  }
0xbe: {  	[sflag:s15] =	ssyncset.done $0x0  }
0xbf: {  	s25 =	rddreg [dreg:$0x13];
	[sflag:s15] =	ssyncadd.s32 $0xFFFFC800  }
0xc0: {  	[hbm4b:s25+s2] =	stream.linear.scatter [tilespmem:s11], [sflag:$0x8], $0x3800, $0x38;
	[tilespmem:$0xECC8] =	vst v63  }
0xc1: {  	_ =	swait.ge [sflag:s14], $0x3800  }
0xc2: {  	s26 =	sld [smem:$0x7F2]  }
0xc3: {  	[sflag:s14] =	ssyncset.done $0x0  }
0xc4: {  	[sflag:s14] =	ssyncadd.s32 $0xFFFFC800  }
0xc5: {  	[tilespmem:s11], [sflag:$0x4] =	stream.indirect.gather [spmem:s1], $0x80, s26, s9, $0xb8;
	[tilespmem:$0xECC8] =	vst v63  }
0xc6: {  	_ =	swait.ge [sflag:s10], $0x3800  }
0xc7: {  	[sflag:s10] =	ssyncset.done $0x0  }
0xc8: {  	s28 =	rddreg [dreg:$0x14];
	[sflag:s10] =	ssyncadd.s32 $0xFFFFC800  }
0xc9: {  	[hbm4b:s28+s2] =	stream.linear.scatter [tilespmem:s6], [sflag:$0x5], $0x3800, $0x38;
	[tilespmem:$0xECC8] =	vst v63  }
0xca: {  	_ =	swait.ge [sflag:s5], $0x3800  }
0xcb: {  	s17 =	sld [smem:$0x7F3]  }
0xcc: {  	[sflag:s5] =	ssyncset.done $0x0  }
0xcd: {  	[sflag:s5] =	ssyncadd.s32 $0xFFFFC800  }
0xce: {  	[tilespmem:s6], [sflag:$0x1] =	stream.indirect.gather [spmem:s1], $0x80, s17, s9, $0xb8;
	[tilespmem:$0xECC8] =	vst v63  }
0xcf: {  	_ =	swait.ge [sflag:s12], $0x3800  }
0xd0: {  	[sflag:s12] =	ssyncset.done $0x0  }
0xd1: {  	s24 =	rddreg [dreg:$0x15];
	[sflag:s12] =	ssyncadd.s32 $0xFFFFC800  }
0xd2: {  	[hbm4b:s24+s2] =	stream.linear.scatter [tilespmem:s4], [sflag:$0x6], $0x3800, $0x38;
	[tilespmem:$0xECC8] =	vst v63  }
0xd3: {  	_ =	swait.ge [sflag:s7], $0x3800  }
0xd4: {  	s25 =	sld [smem:$0x7F4]  }
0xd5: {  	[sflag:s7] =	ssyncset.done $0x0  }
0xd6: {  	[sflag:s7] =	ssyncadd.s32 $0xFFFFC800  }
0xd7: {  	[tilespmem:s4], [sflag:$0x2] =	stream.indirect.gather [spmem:s1], $0x80, s25, s9, $0xb8;
	[tilespmem:$0xECC8] =	vst v63  }
0xd8: {  	_ =	swait.ge [sflag:s13], $0x3800  }
0xd9: {  	[sflag:s13] =	ssyncset.done $0x0  }
0xda: {  	s26 =	rddreg [dreg:$0x16];
	[sflag:s13] =	ssyncadd.s32 $0xFFFFC800  }
0xdb: {  	[hbm4b:s26+s2] =	stream.linear.scatter [tilespmem:s3], [sflag:$0x7], $0x3800, $0x38;
	[tilespmem:$0xECC8] =	vst v63  }
0xdc: {  	_ =	swait.ge [sflag:s8], $0x3800  }
0xdd: {  	s28 =	sld [smem:$0x7F5]  }
0xde: {  	[sflag:s8] =	ssyncset.done $0x0  }
0xdf: {  	[sflag:s8] =	ssyncadd.s32 $0xFFFFC800  }
0xe0: {  	[tilespmem:s3], [sflag:$0x3] =	stream.indirect.gather [spmem:s1], $0x80, s28, s9, $0xb8;
	[tilespmem:$0xECC8] =	vst v63  }
0xe1: {  	_ =	swait.ge [sflag:s15], $0x3800  }
0xe2: {  	[sflag:s15] =	ssyncset.done $0x0  }
0xe3: {  	s17 =	rddreg [dreg:$0x17];
	[sflag:s15] =	ssyncadd.s32 $0xFFFFC800  }
0xe4: {  	[hbm4b:s17+s2] =	stream.linear.scatter [tilespmem:s11], [sflag:$0x8], $0x3800, $0x38;
	[tilespmem:$0xECC8] =	vst v63  }
0xe5: {  	_ =	swait.ge [sflag:s14], $0x3800  }
0xe6: {  	s24 =	sld [smem:$0x7F6]  }
0xe7: {  	[sflag:s14] =	ssyncset.done $0x0  }
0xe8: {  	[sflag:s14] =	ssyncadd.s32 $0xFFFFC800  }
0xe9: {  	[tilespmem:s11], [sflag:$0x4] =	stream.indirect.gather [spmem:s1], $0x80, s24, s9, $0xb8;
	[tilespmem:$0xECC8] =	vst v63  }
0xea: {  	_ =	swait.ge [sflag:s10], $0x3800  }
0xeb: {  	[sflag:s10] =	ssyncset.done $0x0  }
0xec: {  	s25 =	rddreg [dreg:$0x18];
	[sflag:s10] =	ssyncadd.s32 $0xFFFFC800  }
0xed: {  	[hbm4b:s25+s2] =	stream.linear.scatter [tilespmem:s6], [sflag:$0x5], $0x3800, $0x38;
	[tilespmem:$0xECC8] =	vst v63  }
0xee: {  	_ =	swait.ge [sflag:s5], $0x3800  }
0xef: {  	s26 =	sld [smem:$0x7F7]  }
0xf0: {  	[sflag:s5] =	ssyncset.done $0x0  }
0xf1: {  	[sflag:s5] =	ssyncadd.s32 $0xFFFFC800  }
0xf2: {  	[tilespmem:s6], [sflag:$0x1] =	stream.indirect.gather [spmem:s1], $0x80, s26, s9, $0xb8;
	[tilespmem:$0xECC8] =	vst v63  }
0xf3: {  	_ =	swait.ge [sflag:s12], $0x3800  }
0xf4: {  	[sflag:s12] =	ssyncset.done $0x0  }
0xf5: {  	s28 =	rddreg [dreg:$0x19];
	[sflag:s12] =	ssyncadd.s32 $0xFFFFC800  }
0xf6: {  	[hbm4b:s28+s2] =	stream.linear.scatter [tilespmem:s4], [sflag:$0x6], $0x3800, $0x38;
	[tilespmem:$0xECC8] =	vst v63  }
0xf7: {  	_ =	swait.ge [sflag:s7], $0x3800  }
0xf8: {  	s17 =	sld [smem:$0x7F8]  }
0xf9: {  	[sflag:s7] =	ssyncset.done $0x0  }
0xfa: {  	[sflag:s7] =	ssyncadd.s32 $0xFFFFC800  }
0xfb: {  	[tilespmem:s4], [sflag:$0x2] =	stream.indirect.gather [spmem:s1], $0x80, s17, s9, $0xb8;
	[tilespmem:$0xECC8] =	vst v63  }
0xfc: {  	_ =	swait.ge [sflag:s13], $0x3800  }
0xfd: {  	[sflag:s13] =	ssyncset.done $0x0  }
0xfe: {  	s24 =	rddreg [dreg:$0x1a];
	[sflag:s13] =	ssyncadd.s32 $0xFFFFC800  }
0xff: {  	[hbm4b:s24+s2] =	stream.linear.scatter [tilespmem:s3], [sflag:$0x7], $0x3800, $0x38;
	[tilespmem:$0xECC8] =	vst v63  }
0x100: {  	_ =	swait.ge [sflag:s8], $0x3800  }
0x101: {  	s25 =	sld [smem:$0x7F9]  }
0x102: {  	[sflag:s8] =	ssyncset.done $0x0  }
0x103: {  	[sflag:s8] =	ssyncadd.s32 $0xFFFFC800  }
0x104: {  	[tilespmem:s3], [sflag:$0x3] =	stream.indirect.gather [spmem:s1], $0x80, s25, s9, $0xb8;
	[tilespmem:$0xECC8] =	vst v63  }
0x105: {  	_ =	swait.ge [sflag:s15], $0x3800  }
0x106: {  	[sflag:s15] =	ssyncset.done $0x0  }
0x107: {  	s26 =	rddreg [dreg:$0x1b];
	[sflag:s15] =	ssyncadd.s32 $0xFFFFC800  }
0x108: {  	[hbm4b:s26+s2] =	stream.linear.scatter [tilespmem:s11], [sflag:$0x8], $0x3800, $0x38;
	[tilespmem:$0xECC8] =	vst v63  }
0x109: {  	_ =	swait.ge [sflag:s14], $0x3800  }
0x10a: {  	s28 =	sld [smem:$0x7FA]  }
0x10b: {  	[sflag:s14] =	ssyncset.done $0x0  }
0x10c: {  	[sflag:s14] =	ssyncadd.s32 $0xFFFFC800  }
0x10d: {  	[tilespmem:s11], [sflag:$0x4] =	stream.indirect.gather [spmem:s1], $0x80, s28, s9, $0xb8;
	[tilespmem:$0xECC8] =	vst v63  }
0x10e: {  	_ =	swait.ge [sflag:s10], $0x3800  }
0x10f: {  	[sflag:s10] =	ssyncset.done $0x0  }
0x110: {  	s17 =	rddreg [dreg:$0x1c];
	[sflag:s10] =	ssyncadd.s32 $0xFFFFC800  }
0x111: {  	[hbm4b:s17+s2] =	stream.linear.scatter [tilespmem:s6], [sflag:$0x5], $0x3800, $0x38;
	[tilespmem:$0xECC8] =	vst v63  }
0x112: {  	_ =	swait.ge [sflag:s5], $0x3800  }
0x113: {  	s24 =	sld [smem:$0x7FB]  }
0x114: {  	[sflag:s5] =	ssyncset.done $0x0  }
0x115: {  	[sflag:s5] =	ssyncadd.s32 $0xFFFFC800  }
0x116: {  	[tilespmem:s6], [sflag:$0x1] =	stream.indirect.gather [spmem:s1], $0x80, s24, s9, $0xb8;
	[tilespmem:$0xECC8] =	vst v63  }
0x117: {  	_ =	swait.ge [sflag:s12], $0x3800  }
0x118: {  	[sflag:s12] =	ssyncset.done $0x0  }
0x119: {  	s25 =	rddreg [dreg:$0x1d];
	[sflag:s12] =	ssyncadd.s32 $0xFFFFC800  }
0x11a: {  	[hbm4b:s25+s2] =	stream.linear.scatter [tilespmem:s4], [sflag:$0x6], $0x3800, $0x38;
	[tilespmem:$0xECC8] =	vst v63  }
0x11b: {  	_ =	swait.ge [sflag:s7], $0x3800  }
0x11c: {  	s26 =	sld [smem:$0x7FC]  }
0x11d: {  	[sflag:s7] =	ssyncset.done $0x0  }
0x11e: {  	[sflag:s7] =	ssyncadd.s32 $0xFFFFC800  }
0x11f: {  	[tilespmem:s4], [sflag:$0x2] =	stream.indirect.gather [spmem:s1], $0x80, s26, s9, $0xb8;
	[tilespmem:$0xECC8] =	vst v63  }
0x120: {  	_ =	swait.ge [sflag:s13], $0x3800  }
0x121: {  	[sflag:s13] =	ssyncset.done $0x0  }
0x122: {  	s28 =	rddreg [dreg:$0x1e];
	[sflag:s13] =	ssyncadd.s32 $0xFFFFC800  }
0x123: {  	[hbm4b:s28+s2] =	stream.linear.scatter [tilespmem:s3], [sflag:$0x7], $0x3800, $0x38;
	[tilespmem:$0xECC8] =	vst v63  }
0x124: {  	_ =	swait.ge [sflag:s8], $0x3800  }
0x125: {  	s17 =	sld [smem:$0x7FD]  }
0x126: {  	[sflag:s8] =	ssyncset.done $0x0  }
0x127: {  	[sflag:s8] =	ssyncadd.s32 $0xFFFFC800  }
0x128: {  	[tilespmem:s3], [sflag:$0x3] =	stream.indirect.gather [spmem:s1], $0x80, s17, s9, $0xb8;
	[tilespmem:$0xECC8] =	vst v63  }
0x129: {  	_ =	swait.ge [sflag:s15], $0x3800  }
0x12a: {  	[sflag:s15] =	ssyncset.done $0x0  }
0x12b: {  	s24 =	rddreg [dreg:$0x1f];
	[sflag:s15] =	ssyncadd.s32 $0xFFFFC800  }
0x12c: {  	[hbm4b:s24+s2] =	stream.linear.scatter [tilespmem:s11], [sflag:$0x8], $0x3800, $0x38;
	[tilespmem:$0xECC8] =	vst v63  }
0x12d: {  	_ =	swait.ge [sflag:s10], $0x3800  }
0x12e: {  	s25 =	sld [smem:$0x7DE]  }
0x12f: {  	[sflag:s10] =	ssyncset.done $0x0  }
0x130: {  	[sflag:s10] =	ssyncadd.s32 $0xFFFFC800  }
0x131: {  	[hbm4b:s25+s2] =	stream.linear.scatter [tilespmem:s6], [sflag:$0x5], $0x3800, $0x38;
	[tilespmem:$0xECC8] =	vst v63  }
0x132: {  	_ =	swait.ge [sflag:s12], $0x3800  }
0x133: {  	s26 =	sld [smem:$0x7DF]  }
0x134: {  	[sflag:s12] =	ssyncset.done $0x0  }
0x135: {  	[sflag:s12] =	ssyncadd.s32 $0xFFFFC800  }
0x136: {  	[hbm4b:s26+s2] =	stream.linear.scatter [tilespmem:s4], [sflag:$0x6], $0x3800, $0x38;
	[tilespmem:$0xECC8] =	vst v63  }
0x137: {  	_ =	swait.ge [sflag:s13], $0x3800  }
0x138: {  	s28 =	sld [smem:$0x7E0]  }
0x139: {  	[sflag:s13] =	ssyncset.done $0x0  }
0x13a: {  	[sflag:s13] =	ssyncadd.s32 $0xFFFFC800  }
0x13b: {  	[hbm4b:s28+s2] =	stream.linear.scatter [tilespmem:s3], [sflag:$0x7], $0x3800, $0x38;
	[tilespmem:$0xECC8] =	vst v63  }
0x13c: {  	_ =	swait.ge [sflag:s14], $0x3800  }
0x13d: {  	[sflag:s14] =	ssyncset.done $0x0  }
0x13e: {  	[sflag:s14] =	ssyncadd.s32 $0xFFFFC800  }
0x13f: {  	_ =	swait.ge [sflag:s5], $0x3800  }
0x140: {  	[sflag:s5] =	ssyncset.done $0x0  }
0x141: {  	[sflag:s5] =	ssyncadd.s32 $0xFFFFC800  }
0x142: {  	_ =	swait.ge [sflag:s7], $0x3800  }
0x143: {  	[sflag:s7] =	ssyncset.done $0x0  }
0x144: {  	[sflag:s7] =	ssyncadd.s32 $0xFFFFC800  }
0x145: {  	_ =	swait.ge [sflag:s8], $0x3800  }
0x146: {  	s29 =	simm.s32 @p1 $0xC18;
	s0 =	simm.s32 @p1 $0x8;
	[sflag:s8] =	ssyncset.done $0x0  }
0x147: {  	s25 =	simm.s32 @p1 $0x44C8;
	s26 =	simm.s32 @p1 $0x2;
	[sflag:s8] =	ssyncadd.s32 $0xFFFFC800  }
0x148: {  	[tilespmem:s25], [sflag:$0x2] =	stream.indirect.gather @p1 [spmem:s1], $0x80, s29, s0, $0xb8;
	[tilespmem:$0xECC8] =	vst v63  }
0x149: {  	_ =	swait.ge @p1 [sflag:s26], $0x400  }
0x14a: {  	s0 =	sld [smem:$0x7E2]  }
0x14b: {  	[sflag:s26] =	ssyncset.done @p1 $0x0  }
0x14c: {  	[sflag:s26] =	ssyncadd.s32 @p1 $0xFFFFFC00  }
0x14d: {  	[hbm4b:s0+s21] =	stream.linear.scatter @p1 [tilespmem:s25], [sflag:$0x9], $0x400, $0x38;
	[tilespmem:$0xECC8] =	vst v63  }
0x14e: {  	_ =	swait.ge @p1 [sflag:s19], $0x400  }
0x14f: {  	s30 =	simm.s32 @!p1 $0xCC8;
	s31 =	simm.s32 @!p1 $0x1;
	[sflag:s19] =	ssyncset.done @p1 $0x0  }
0x150: {  	s17 =	simm.s32 @!p1 $0xC18;
	s0 =	simm.s32 @!p1 $0x68;
	[sflag:s19] =	ssyncadd.s32 @p1 $0xFFFFFC00  }
0x151: {  	[tilespmem:s30], [sflag:$0x1] =	stream.indirect.gather @!p1 [spmem:s1], $0x80, s17, s0, $0xb8;
	[tilespmem:$0xECC8] =	vst v63  }
0x152: {  	s22 =	sadd.s32 $0xFFFFFFFF, s22;
	_ =	swait.ge @!p1 [sflag:s31], $0x3400  }
0x153: {  	p3 =	sne.s32 s22, $0x0;
	s24 =	sld [smem:$0x7E1]  }
.Ltmp1:
0x154: {  	[sflag:s31] =	ssyncset.done @!p1 $0x0;
	(pc) =	sbr.rel @!p3 .LBB2_3-.Ltmp1, $4  }
0x155: {  	[sflag:s31] =	ssyncadd.s32 @!p1 $0xFFFFCC00  }
0x156: {  	[hbm4b:s24+s23] =	stream.linear.scatter @!p1 [tilespmem:s30], [sflag:$0x9], $0x3400, $0x38;
	[tilespmem:$0xECC8] =	vst v63  }
0x157: {  	_ =	swait.ge @!p1 [sflag:s20], $0x3400  }
0x158: {  	p2 =	por $0x1, $0x1;
	s24 =	rddreg [dreg:$0x5];
	[sflag:s20] =	ssyncset.done @!p1 $0x0  }
.LBB2_4:
0x159: {  	[sflag:s20] =	ssyncadd.s32 @!p1 $0xFFFFCC00;
	s28 =	simm.s32 @!p0 $0x1C09  }
0x15a: {  	[spmem:s16], [sflag:s28] =	dma.local @!p0 [hbm:s24], $0x90  }
0x15b: {  	_ =	swait.ge @!p0 [sflag:s18], $0x90  }
0x15c: {  	[sflag:s18] =	ssyncset.done @!p0 $0x0  }
0x15d: {  	s28 =	simm.s32 @p1 $0x48;
	s24 =	rddreg [dreg:$0x7];
	[sflag:s18] =	ssyncadd.s32 @!p0 $0xFFFFFF70  }
0x15e: {  	[tilespmem:s28], [sflag:$0x9] =	stream.linear.gather @p1 [hbm4b:s24+s21], $0xBD8, $0x38;
	[tilespmem:$0xECC8] =	vst v63  }
0x15f: {  	_ =	swait.ge @p1 [sflag:s19], $0xBD8  }
0x160: {  	[sflag:s19] =	ssyncset.done @p1 $0x0  }
0x161: {  	s28 =	simm.s32 @!p1 $0x48;
	s24 =	rddreg [dreg:$0x6];
	[sflag:s19] =	ssyncadd.s32 @p1 $0xFFFFF428  }
0x162: {  	[tilespmem:s28], [sflag:$0x9] =	stream.linear.gather @!p1 [hbm4b:s24+s23], $0xC38, $0x38;
	[tilespmem:$0xECC8] =	vst v63  }
0x163: {  	_ =	swait.ge @!p1 [sflag:s20], $0xC38  }
0x164: {  	[sflag:s20] =	ssyncset.done @!p1 $0x0  }
0x165: {  	[sflag:s20] =	ssyncadd.s32 @!p1 $0xFFFFF3C8  }
0x166: {  	[bflag:$0x0] =	sbarrier.arrive $0xFFFF  }
0x167: {  	s24 =	sld [smem:$0x7E3];
	_ =	sdelay $0x1  }
0x168: {  	s28 =	sld [smem:$0x7E4]  }
0x169: {  	[tilespmem:s6], [sflag:$0x1] =	stream.indirect.gather [spmem:s1], $0x80, s24, s9, $0xb8;
	[tilespmem:$0xECC8] =	vst v63  }
0x16a: {  	s24 =	sld [smem:$0x7E5]  }
0x16b: {  	[tilespmem:s4], [sflag:$0x2] =	stream.indirect.gather [spmem:s1], $0x80, s28, s9, $0xb8;
	[tilespmem:$0xECC8] =	vst v63  }
0x16c: {  	s28 =	sld [smem:$0x7E6]  }
0x16d: {  	[tilespmem:s3], [sflag:$0x3] =	stream.indirect.gather [spmem:s1], $0x80, s24, s9, $0xb8;
	[tilespmem:$0xECC8] =	vst v63  }
0x16e: {  	_ = 	snop  }
0x16f: {  	[tilespmem:s11], [sflag:$0x4] =	stream.indirect.gather [spmem:s1], $0x80, s28, s9, $0xb8;
	[tilespmem:$0xECC8] =	vst v63  }
0x170: {  	_ =	swait.ge [sflag:s10], $0x3800  }
0x171: {  	[sflag:s10] =	ssyncset.done $0x0  }
0x172: {  	s28 =	rddreg [dreg:$0x8];
	[sflag:s10] =	ssyncadd.s32 $0xFFFFC800  }
0x173: {  	[hbm4b:s28+s2] =	stream.linear.scatter [tilespmem:s6], [sflag:$0x5], $0x3800, $0x38;
	[tilespmem:$0xECC8] =	vst v63  }
0x174: {  	_ =	swait.ge [sflag:s5], $0x3800  }
0x175: {  	s28 =	sld [smem:$0x7E7]  }
0x176: {  	[sflag:s5] =	ssyncset.done $0x0  }
0x177: {  	[sflag:s5] =	ssyncadd.s32 $0xFFFFC800  }
0x178: {  	[tilespmem:s6], [sflag:$0x1] =	stream.indirect.gather [spmem:s1], $0x80, s28, s9, $0xb8;
	[tilespmem:$0xECC8] =	vst v63  }
0x179: {  	_ =	swait.ge [sflag:s12], $0x3800  }
0x17a: {  	[sflag:s12] =	ssyncset.done $0x0  }
0x17b: {  	s28 =	rddreg [dreg:$0x9];
	[sflag:s12] =	ssyncadd.s32 $0xFFFFC800  }
0x17c: {  	[hbm4b:s28+s2] =	stream.linear.scatter [tilespmem:s4], [sflag:$0x6], $0x3800, $0x38;
	[tilespmem:$0xECC8] =	vst v63  }
0x17d: {  	_ =	swait.ge [sflag:s7], $0x3800  }
0x17e: {  	s28 =	sld [smem:$0x7E8]  }
0x17f: {  	[sflag:s7] =	ssyncset.done $0x0  }
0x180: {  	[sflag:s7] =	ssyncadd.s32 $0xFFFFC800  }
0x181: {  	[tilespmem:s4], [sflag:$0x2] =	stream.indirect.gather [spmem:s1], $0x80, s28, s9, $0xb8;
	[tilespmem:$0xECC8] =	vst v63  }
0x182: {  	_ =	swait.ge [sflag:s13], $0x3800  }
0x183: {  	[sflag:s13] =	ssyncset.done $0x0  }
0x184: {  	s28 =	rddreg [dreg:$0xa];
	[sflag:s13] =	ssyncadd.s32 $0xFFFFC800  }
0x185: {  	[hbm4b:s28+s2] =	stream.linear.scatter [tilespmem:s3], [sflag:$0x7], $0x3800, $0x38;
	[tilespmem:$0xECC8] =	vst v63  }
0x186: {  	_ =	swait.ge [sflag:s8], $0x3800  }
0x187: {  	s28 =	sld [smem:$0x7E9]  }
0x188: {  	[sflag:s8] =	ssyncset.done $0x0  }
0x189: {  	[sflag:s8] =	ssyncadd.s32 $0xFFFFC800  }
0x18a: {  	[tilespmem:s3], [sflag:$0x3] =	stream.indirect.gather [spmem:s1], $0x80, s28, s9, $0xb8;
	[tilespmem:$0xECC8] =	vst v63  }
0x18b: {  	_ =	swait.ge [sflag:s15], $0x3800  }
0x18c: {  	[sflag:s15] =	ssyncset.done $0x0  }
0x18d: {  	s28 =	rddreg [dreg:$0xb];
	[sflag:s15] =	ssyncadd.s32 $0xFFFFC800  }
0x18e: {  	[hbm4b:s28+s2] =	stream.linear.scatter [tilespmem:s11], [sflag:$0x8], $0x3800, $0x38;
	[tilespmem:$0xECC8] =	vst v63  }
0x18f: {  	_ =	swait.ge [sflag:s14], $0x3800  }
0x190: {  	s28 =	sld [smem:$0x7EA]  }
0x191: {  	[sflag:s14] =	ssyncset.done $0x0  }
0x192: {  	[sflag:s14] =	ssyncadd.s32 $0xFFFFC800  }
0x193: {  	[tilespmem:s11], [sflag:$0x4] =	stream.indirect.gather [spmem:s1], $0x80, s28, s9, $0xb8;
	[tilespmem:$0xECC8] =	vst v63  }
0x194: {  	_ =	swait.ge [sflag:s10], $0x3800  }
0x195: {  	[sflag:s10] =	ssyncset.done $0x0  }
0x196: {  	s28 =	rddreg [dreg:$0xc];
	[sflag:s10] =	ssyncadd.s32 $0xFFFFC800  }
0x197: {  	[hbm4b:s28+s2] =	stream.linear.scatter [tilespmem:s6], [sflag:$0x5], $0x3800, $0x38;
	[tilespmem:$0xECC8] =	vst v63  }
0x198: {  	_ =	swait.ge [sflag:s5], $0x3800  }
0x199: {  	s28 =	sld [smem:$0x7EB]  }
0x19a: {  	[sflag:s5] =	ssyncset.done $0x0  }
0x19b: {  	[sflag:s5] =	ssyncadd.s32 $0xFFFFC800  }
0x19c: {  	[tilespmem:s6], [sflag:$0x1] =	stream.indirect.gather [spmem:s1], $0x80, s28, s9, $0xb8;
	[tilespmem:$0xECC8] =	vst v63  }
0x19d: {  	_ =	swait.ge [sflag:s12], $0x3800  }
0x19e: {  	[sflag:s12] =	ssyncset.done $0x0  }
0x19f: {  	s28 =	rddreg [dreg:$0xd];
	[sflag:s12] =	ssyncadd.s32 $0xFFFFC800  }
0x1a0: {  	[hbm4b:s28+s2] =	stream.linear.scatter [tilespmem:s4], [sflag:$0x6], $0x3800, $0x38;
	[tilespmem:$0xECC8] =	vst v63  }
0x1a1: {  	_ =	swait.ge [sflag:s7], $0x3800  }
0x1a2: {  	s28 =	sld [smem:$0x7EC]  }
0x1a3: {  	[sflag:s7] =	ssyncset.done $0x0  }
0x1a4: {  	[sflag:s7] =	ssyncadd.s32 $0xFFFFC800  }
0x1a5: {  	[tilespmem:s4], [sflag:$0x2] =	stream.indirect.gather [spmem:s1], $0x80, s28, s9, $0xb8;
	[tilespmem:$0xECC8] =	vst v63  }
0x1a6: {  	_ =	swait.ge [sflag:s13], $0x3800  }
0x1a7: {  	[sflag:s13] =	ssyncset.done $0x0  }
0x1a8: {  	s28 =	rddreg [dreg:$0xe];
	[sflag:s13] =	ssyncadd.s32 $0xFFFFC800  }
0x1a9: {  	[hbm4b:s28+s2] =	stream.linear.scatter [tilespmem:s3], [sflag:$0x7], $0x3800, $0x38;
	[tilespmem:$0xECC8] =	vst v63  }
0x1aa: {  	_ =	swait.ge [sflag:s8], $0x3800  }
0x1ab: {  	s28 =	sld [smem:$0x7ED]  }
0x1ac: {  	[sflag:s8] =	ssyncset.done $0x0  }
0x1ad: {  	[sflag:s8] =	ssyncadd.s32 $0xFFFFC800  }
0x1ae: {  	[tilespmem:s3], [sflag:$0x3] =	stream.indirect.gather [spmem:s1], $0x80, s28, s9, $0xb8;
	[tilespmem:$0xECC8] =	vst v63  }
0x1af: {  	_ =	swait.ge [sflag:s15], $0x3800  }
0x1b0: {  	[sflag:s15] =	ssyncset.done $0x0  }
0x1b1: {  	s28 =	rddreg [dreg:$0xf];
	[sflag:s15] =	ssyncadd.s32 $0xFFFFC800  }
0x1b2: {  	[hbm4b:s28+s2] =	stream.linear.scatter [tilespmem:s11], [sflag:$0x8], $0x3800, $0x38;
	[tilespmem:$0xECC8] =	vst v63  }
0x1b3: {  	_ =	swait.ge [sflag:s14], $0x3800  }
0x1b4: {  	s28 =	sld [smem:$0x7EE]  }
0x1b5: {  	[sflag:s14] =	ssyncset.done $0x0  }
0x1b6: {  	[sflag:s14] =	ssyncadd.s32 $0xFFFFC800  }
0x1b7: {  	[tilespmem:s11], [sflag:$0x4] =	stream.indirect.gather [spmem:s1], $0x80, s28, s9, $0xb8;
	[tilespmem:$0xECC8] =	vst v63  }
0x1b8: {  	_ =	swait.ge [sflag:s10], $0x3800  }
0x1b9: {  	[sflag:s10] =	ssyncset.done $0x0  }
0x1ba: {  	s28 =	rddreg [dreg:$0x10];
	[sflag:s10] =	ssyncadd.s32 $0xFFFFC800  }
0x1bb: {  	[hbm4b:s28+s2] =	stream.linear.scatter [tilespmem:s6], [sflag:$0x5], $0x3800, $0x38;
	[tilespmem:$0xECC8] =	vst v63  }
0x1bc: {  	_ =	swait.ge [sflag:s5], $0x3800  }
0x1bd: {  	s28 =	sld [smem:$0x7EF]  }
0x1be: {  	[sflag:s5] =	ssyncset.done $0x0  }
0x1bf: {  	[sflag:s5] =	ssyncadd.s32 $0xFFFFC800  }
0x1c0: {  	[tilespmem:s6], [sflag:$0x1] =	stream.indirect.gather [spmem:s1], $0x80, s28, s9, $0xb8;
	[tilespmem:$0xECC8] =	vst v63  }
0x1c1: {  	_ =	swait.ge [sflag:s12], $0x3800  }
0x1c2: {  	[sflag:s12] =	ssyncset.done $0x0  }
0x1c3: {  	s28 =	rddreg [dreg:$0x11];
	[sflag:s12] =	ssyncadd.s32 $0xFFFFC800  }
0x1c4: {  	[hbm4b:s28+s2] =	stream.linear.scatter [tilespmem:s4], [sflag:$0x6], $0x3800, $0x38;
	[tilespmem:$0xECC8] =	vst v63  }
0x1c5: {  	_ =	swait.ge [sflag:s7], $0x3800  }
0x1c6: {  	s28 =	sld [smem:$0x7F0]  }
0x1c7: {  	[sflag:s7] =	ssyncset.done $0x0  }
0x1c8: {  	[sflag:s7] =	ssyncadd.s32 $0xFFFFC800  }
0x1c9: {  	[tilespmem:s4], [sflag:$0x2] =	stream.indirect.gather [spmem:s1], $0x80, s28, s9, $0xb8;
	[tilespmem:$0xECC8] =	vst v63  }
0x1ca: {  	_ =	swait.ge [sflag:s13], $0x3800  }
0x1cb: {  	[sflag:s13] =	ssyncset.done $0x0  }
0x1cc: {  	s28 =	rddreg [dreg:$0x12];
	[sflag:s13] =	ssyncadd.s32 $0xFFFFC800  }
0x1cd: {  	[hbm4b:s28+s2] =	stream.linear.scatter [tilespmem:s3], [sflag:$0x7], $0x3800, $0x38;
	[tilespmem:$0xECC8] =	vst v63  }
0x1ce: {  	_ =	swait.ge [sflag:s8], $0x3800  }
0x1cf: {  	s28 =	sld [smem:$0x7F1]  }
0x1d0: {  	[sflag:s8] =	ssyncset.done $0x0  }
0x1d1: {  	[sflag:s8] =	ssyncadd.s32 $0xFFFFC800  }
0x1d2: {  	[tilespmem:s3], [sflag:$0x3] =	stream.indirect.gather [spmem:s1], $0x80, s28, s9, $0xb8;
	[tilespmem:$0xECC8] =	vst v63  }
0x1d3: {  	_ =	swait.ge [sflag:s15], $0x3800  }
0x1d4: {  	[sflag:s15] =	ssyncset.done $0x0  }
0x1d5: {  	s28 =	rddreg [dreg:$0x13];
	[sflag:s15] =	ssyncadd.s32 $0xFFFFC800  }
0x1d6: {  	[hbm4b:s28+s2] =	stream.linear.scatter [tilespmem:s11], [sflag:$0x8], $0x3800, $0x38;
	[tilespmem:$0xECC8] =	vst v63  }
0x1d7: {  	_ =	swait.ge [sflag:s14], $0x3800  }
0x1d8: {  	s28 =	sld [smem:$0x7F2]  }
0x1d9: {  	[sflag:s14] =	ssyncset.done $0x0  }
0x1da: {  	[sflag:s14] =	ssyncadd.s32 $0xFFFFC800  }
0x1db: {  	[tilespmem:s11], [sflag:$0x4] =	stream.indirect.gather [spmem:s1], $0x80, s28, s9, $0xb8;
	[tilespmem:$0xECC8] =	vst v63  }
0x1dc: {  	_ =	swait.ge [sflag:s10], $0x3800  }
0x1dd: {  	[sflag:s10] =	ssyncset.done $0x0  }
0x1de: {  	s28 =	rddreg [dreg:$0x14];
	[sflag:s10] =	ssyncadd.s32 $0xFFFFC800  }
0x1df: {  	[hbm4b:s28+s2] =	stream.linear.scatter [tilespmem:s6], [sflag:$0x5], $0x3800, $0x38;
	[tilespmem:$0xECC8] =	vst v63  }
0x1e0: {  	_ =	swait.ge [sflag:s5], $0x3800  }
0x1e1: {  	s28 =	sld [smem:$0x7F3]  }
0x1e2: {  	[sflag:s5] =	ssyncset.done $0x0  }
0x1e3: {  	[sflag:s5] =	ssyncadd.s32 $0xFFFFC800  }
0x1e4: {  	[tilespmem:s6], [sflag:$0x1] =	stream.indirect.gather [spmem:s1], $0x80, s28, s9, $0xb8;
	[tilespmem:$0xECC8] =	vst v63  }
0x1e5: {  	_ =	swait.ge [sflag:s12], $0x3800  }
0x1e6: {  	[sflag:s12] =	ssyncset.done $0x0  }
0x1e7: {  	s28 =	rddreg [dreg:$0x15];
	[sflag:s12] =	ssyncadd.s32 $0xFFFFC800  }
0x1e8: {  	[hbm4b:s28+s2] =	stream.linear.scatter [tilespmem:s4], [sflag:$0x6], $0x3800, $0x38;
	[tilespmem:$0xECC8] =	vst v63  }
0x1e9: {  	_ =	swait.ge [sflag:s7], $0x3800  }
0x1ea: {  	s28 =	sld [smem:$0x7F4]  }
0x1eb: {  	[sflag:s7] =	ssyncset.done $0x0  }
0x1ec: {  	[sflag:s7] =	ssyncadd.s32 $0xFFFFC800  }
0x1ed: {  	[tilespmem:s4], [sflag:$0x2] =	stream.indirect.gather [spmem:s1], $0x80, s28, s9, $0xb8;
	[tilespmem:$0xECC8] =	vst v63  }
0x1ee: {  	_ =	swait.ge [sflag:s13], $0x3800  }
0x1ef: {  	[sflag:s13] =	ssyncset.done $0x0  }
0x1f0: {  	s28 =	rddreg [dreg:$0x16];
	[sflag:s13] =	ssyncadd.s32 $0xFFFFC800  }
0x1f1: {  	[hbm4b:s28+s2] =	stream.linear.scatter [tilespmem:s3], [sflag:$0x7], $0x3800, $0x38;
	[tilespmem:$0xECC8] =	vst v63  }
0x1f2: {  	_ =	swait.ge [sflag:s8], $0x3800  }
0x1f3: {  	s28 =	sld [smem:$0x7F5]  }
0x1f4: {  	[sflag:s8] =	ssyncset.done $0x0  }
0x1f5: {  	[sflag:s8] =	ssyncadd.s32 $0xFFFFC800  }
0x1f6: {  	[tilespmem:s3], [sflag:$0x3] =	stream.indirect.gather [spmem:s1], $0x80, s28, s9, $0xb8;
	[tilespmem:$0xECC8] =	vst v63  }
0x1f7: {  	_ =	swait.ge [sflag:s15], $0x3800  }
0x1f8: {  	[sflag:s15] =	ssyncset.done $0x0  }
0x1f9: {  	s28 =	rddreg [dreg:$0x17];
	[sflag:s15] =	ssyncadd.s32 $0xFFFFC800  }
0x1fa: {  	[hbm4b:s28+s2] =	stream.linear.scatter [tilespmem:s11], [sflag:$0x8], $0x3800, $0x38;
	[tilespmem:$0xECC8] =	vst v63  }
0x1fb: {  	_ =	swait.ge [sflag:s14], $0x3800  }
0x1fc: {  	s28 =	sld [smem:$0x7F6]  }
0x1fd: {  	[sflag:s14] =	ssyncset.done $0x0  }
0x1fe: {  	[sflag:s14] =	ssyncadd.s32 $0xFFFFC800  }
0x1ff: {  	[tilespmem:s11], [sflag:$0x4] =	stream.indirect.gather [spmem:s1], $0x80, s28, s9, $0xb8;
	[tilespmem:$0xECC8] =	vst v63  }
0x200: {  	_ =	swait.ge [sflag:s10], $0x3800  }
0x201: {  	[sflag:s10] =	ssyncset.done $0x0  }
0x202: {  	s28 =	rddreg [dreg:$0x18];
	[sflag:s10] =	ssyncadd.s32 $0xFFFFC800  }
0x203: {  	[hbm4b:s28+s2] =	stream.linear.scatter [tilespmem:s6], [sflag:$0x5], $0x3800, $0x38;
	[tilespmem:$0xECC8] =	vst v63  }
0x204: {  	_ =	swait.ge [sflag:s5], $0x3800  }
0x205: {  	s28 =	sld [smem:$0x7F7]  }
0x206: {  	[sflag:s5] =	ssyncset.done $0x0  }
0x207: {  	[sflag:s5] =	ssyncadd.s32 $0xFFFFC800  }
0x208: {  	[tilespmem:s6], [sflag:$0x1] =	stream.indirect.gather [spmem:s1], $0x80, s28, s9, $0xb8;
	[tilespmem:$0xECC8] =	vst v63  }
0x209: {  	_ =	swait.ge [sflag:s12], $0x3800  }
0x20a: {  	[sflag:s12] =	ssyncset.done $0x0  }
0x20b: {  	s28 =	rddreg [dreg:$0x19];
	[sflag:s12] =	ssyncadd.s32 $0xFFFFC800  }
0x20c: {  	[hbm4b:s28+s2] =	stream.linear.scatter [tilespmem:s4], [sflag:$0x6], $0x3800, $0x38;
	[tilespmem:$0xECC8] =	vst v63  }
0x20d: {  	_ =	swait.ge [sflag:s7], $0x3800  }
0x20e: {  	s28 =	sld [smem:$0x7F8]  }
0x20f: {  	[sflag:s7] =	ssyncset.done $0x0  }
0x210: {  	[sflag:s7] =	ssyncadd.s32 $0xFFFFC800  }
0x211: {  	[tilespmem:s4], [sflag:$0x2] =	stream.indirect.gather [spmem:s1], $0x80, s28, s9, $0xb8;
	[tilespmem:$0xECC8] =	vst v63  }
0x212: {  	_ =	swait.ge [sflag:s13], $0x3800  }
0x213: {  	[sflag:s13] =	ssyncset.done $0x0  }
0x214: {  	s28 =	rddreg [dreg:$0x1a];
	[sflag:s13] =	ssyncadd.s32 $0xFFFFC800  }
0x215: {  	[hbm4b:s28+s2] =	stream.linear.scatter [tilespmem:s3], [sflag:$0x7], $0x3800, $0x38;
	[tilespmem:$0xECC8] =	vst v63  }
0x216: {  	_ =	swait.ge [sflag:s8], $0x3800  }
0x217: {  	s28 =	sld [smem:$0x7F9]  }
0x218: {  	[sflag:s8] =	ssyncset.done $0x0  }
0x219: {  	[sflag:s8] =	ssyncadd.s32 $0xFFFFC800  }
0x21a: {  	[tilespmem:s3], [sflag:$0x3] =	stream.indirect.gather [spmem:s1], $0x80, s28, s9, $0xb8;
	[tilespmem:$0xECC8] =	vst v63  }
0x21b: {  	_ =	swait.ge [sflag:s15], $0x3800  }
0x21c: {  	[sflag:s15] =	ssyncset.done $0x0  }
0x21d: {  	s28 =	rddreg [dreg:$0x1b];
	[sflag:s15] =	ssyncadd.s32 $0xFFFFC800  }
0x21e: {  	[hbm4b:s28+s2] =	stream.linear.scatter [tilespmem:s11], [sflag:$0x8], $0x3800, $0x38;
	[tilespmem:$0xECC8] =	vst v63  }
0x21f: {  	_ =	swait.ge [sflag:s14], $0x3800  }
0x220: {  	s28 =	sld [smem:$0x7FA]  }
0x221: {  	[sflag:s14] =	ssyncset.done $0x0  }
0x222: {  	[sflag:s14] =	ssyncadd.s32 $0xFFFFC800  }
0x223: {  	[tilespmem:s11], [sflag:$0x4] =	stream.indirect.gather [spmem:s1], $0x80, s28, s9, $0xb8;
	[tilespmem:$0xECC8] =	vst v63  }
0x224: {  	_ =	swait.ge [sflag:s10], $0x3800  }
0x225: {  	[sflag:s10] =	ssyncset.done $0x0  }
0x226: {  	s28 =	rddreg [dreg:$0x1c];
	[sflag:s10] =	ssyncadd.s32 $0xFFFFC800  }
0x227: {  	[hbm4b:s28+s2] =	stream.linear.scatter [tilespmem:s6], [sflag:$0x5], $0x3800, $0x38;
	[tilespmem:$0xECC8] =	vst v63  }
0x228: {  	_ =	swait.ge [sflag:s5], $0x3800  }
0x229: {  	s28 =	sld [smem:$0x7FB]  }
0x22a: {  	[sflag:s5] =	ssyncset.done $0x0  }
0x22b: {  	[sflag:s5] =	ssyncadd.s32 $0xFFFFC800  }
0x22c: {  	[tilespmem:s6], [sflag:$0x1] =	stream.indirect.gather [spmem:s1], $0x80, s28, s9, $0xb8;
	[tilespmem:$0xECC8] =	vst v63  }
0x22d: {  	_ =	swait.ge [sflag:s12], $0x3800  }
0x22e: {  	[sflag:s12] =	ssyncset.done $0x0  }
0x22f: {  	s28 =	rddreg [dreg:$0x1d];
	[sflag:s12] =	ssyncadd.s32 $0xFFFFC800  }
0x230: {  	[hbm4b:s28+s2] =	stream.linear.scatter [tilespmem:s4], [sflag:$0x6], $0x3800, $0x38;
	[tilespmem:$0xECC8] =	vst v63  }
0x231: {  	_ =	swait.ge [sflag:s7], $0x3800  }
0x232: {  	s28 =	sld [smem:$0x7FC]  }
0x233: {  	[sflag:s7] =	ssyncset.done $0x0  }
0x234: {  	[sflag:s7] =	ssyncadd.s32 $0xFFFFC800  }
0x235: {  	[tilespmem:s4], [sflag:$0x2] =	stream.indirect.gather [spmem:s1], $0x80, s28, s9, $0xb8;
	[tilespmem:$0xECC8] =	vst v63  }
0x236: {  	_ =	swait.ge [sflag:s13], $0x3800  }
0x237: {  	[sflag:s13] =	ssyncset.done $0x0  }
0x238: {  	s28 =	rddreg [dreg:$0x1e];
	[sflag:s13] =	ssyncadd.s32 $0xFFFFC800  }
0x239: {  	[hbm4b:s28+s2] =	stream.linear.scatter [tilespmem:s3], [sflag:$0x7], $0x3800, $0x38;
	[tilespmem:$0xECC8] =	vst v63  }
0x23a: {  	_ =	swait.ge [sflag:s8], $0x3800  }
0x23b: {  	s28 =	sld [smem:$0x7FD]  }
0x23c: {  	[sflag:s8] =	ssyncset.done $0x0  }
0x23d: {  	[sflag:s8] =	ssyncadd.s32 $0xFFFFC800  }
0x23e: {  	[tilespmem:s3], [sflag:$0x3] =	stream.indirect.gather [spmem:s1], $0x80, s28, s9, $0xb8;
	[tilespmem:$0xECC8] =	vst v63  }
0x23f: {  	_ =	swait.ge [sflag:s15], $0x3800  }
0x240: {  	[sflag:s15] =	ssyncset.done $0x0  }
0x241: {  	s28 =	rddreg [dreg:$0x1f];
	[sflag:s15] =	ssyncadd.s32 $0xFFFFC800  }
0x242: {  	[hbm4b:s28+s2] =	stream.linear.scatter [tilespmem:s11], [sflag:$0x8], $0x3800, $0x38;
	[tilespmem:$0xECC8] =	vst v63  }
0x243: {  	_ =	swait.ge [sflag:s10], $0x3800  }
0x244: {  	s28 =	sld [smem:$0x7DE]  }
0x245: {  	[sflag:s10] =	ssyncset.done $0x0  }
0x246: {  	[sflag:s10] =	ssyncadd.s32 $0xFFFFC800  }
0x247: {  	[hbm4b:s28+s2] =	stream.linear.scatter [tilespmem:s6], [sflag:$0x5], $0x3800, $0x38;
	[tilespmem:$0xECC8] =	vst v63  }
0x248: {  	_ =	swait.ge [sflag:s12], $0x3800  }
0x249: {  	s28 =	sld [smem:$0x7DF]  }
0x24a: {  	[sflag:s12] =	ssyncset.done $0x0  }
0x24b: {  	[sflag:s12] =	ssyncadd.s32 $0xFFFFC800  }
0x24c: {  	[hbm4b:s28+s2] =	stream.linear.scatter [tilespmem:s4], [sflag:$0x6], $0x3800, $0x38;
	[tilespmem:$0xECC8] =	vst v63  }
0x24d: {  	_ =	swait.ge [sflag:s13], $0x3800  }
0x24e: {  	s28 =	sld [smem:$0x7E0]  }
0x24f: {  	[sflag:s13] =	ssyncset.done $0x0  }
0x250: {  	[sflag:s13] =	ssyncadd.s32 $0xFFFFC800  }
0x251: {  	[hbm4b:s28+s2] =	stream.linear.scatter [tilespmem:s3], [sflag:$0x7], $0x3800, $0x38;
	[tilespmem:$0xECC8] =	vst v63  }
0x252: {  	_ =	swait.ge [sflag:s14], $0x3800  }
0x253: {  	[sflag:s14] =	ssyncset.done $0x0  }
0x254: {  	[sflag:s14] =	ssyncadd.s32 $0xFFFFC800  }
0x255: {  	_ =	swait.ge [sflag:s5], $0x3800  }
0x256: {  	[sflag:s5] =	ssyncset.done $0x0  }
0x257: {  	[sflag:s5] =	ssyncadd.s32 $0xFFFFC800  }
0x258: {  	_ =	swait.ge [sflag:s7], $0x3800  }
0x259: {  	[sflag:s7] =	ssyncset.done $0x0  }
0x25a: {  	[sflag:s7] =	ssyncadd.s32 $0xFFFFC800  }
0x25b: {  	_ =	swait.ge [sflag:s8], $0x3800  }
0x25c: {  	[sflag:s8] =	ssyncset.done $0x0  }
0x25d: {  	s24 =	simm.s32 @p1 $0x8;
	[sflag:s8] =	ssyncadd.s32 $0xFFFFC800  }
0x25e: {  	[tilespmem:s25], [sflag:$0x2] =	stream.indirect.gather @p1 [spmem:s1], $0x80, s29, s24, $0xb8;
	[tilespmem:$0xECC8] =	vst v63  }
0x25f: {  	_ =	swait.ge @p1 [sflag:s26], $0x400  }
0x260: {  	s24 =	sld [smem:$0x7E2]  }
0x261: {  	[sflag:s26] =	ssyncset.done @p1 $0x0  }
0x262: {  	[sflag:s26] =	ssyncadd.s32 @p1 $0xFFFFFC00  }
0x263: {  	[hbm4b:s24+s21] =	stream.linear.scatter @p1 [tilespmem:s25], [sflag:$0x9], $0x400, $0x38;
	[tilespmem:$0xECC8] =	vst v63  }
0x264: {  	_ =	swait.ge @p1 [sflag:s19], $0x400  }
0x265: {  	[sflag:s19] =	ssyncset.done @p1 $0x0  }
0x266: {  	[sflag:s19] =	ssyncadd.s32 @p1 $0xFFFFFC00  }
0x267: {  	[tilespmem:s30], [sflag:$0x1] =	stream.indirect.gather @!p1 [spmem:s1], $0x80, s17, s0, $0xb8;
	[tilespmem:$0xECC8] =	vst v63  }
0x268: {  	s22 =	sadd.s32 $0xFFFFFFFF, s22;
	_ =	swait.ge @!p1 [sflag:s31], $0x3400  }
0x269: {  	p3 =	sne.s32 s22, $0x0;
	s24 =	sld [smem:$0x7E1]  }
.Ltmp2:
0x26a: {  	[sflag:s31] =	ssyncset.done @!p1 $0x0;
	(pc) =	sbr.rel @p3 .LBB2_4-.Ltmp2, $4  }
0x26b: {  	[sflag:s31] =	ssyncadd.s32 @!p1 $0xFFFFCC00  }
0x26c: {  	[hbm4b:s24+s23] =	stream.linear.scatter @!p1 [tilespmem:s30], [sflag:$0x9], $0x3400, $0x38;
	[tilespmem:$0xECC8] =	vst v63  }
0x26d: {  	_ =	swait.ge @!p1 [sflag:s20], $0x3400  }
0x26e: {  	s24 =	rddreg [dreg:$0x5];
	[sflag:s20] =	ssyncset.done @!p1 $0x0  }
0x26f: {  	s21 =	rddreg [dreg:$0x4]  }
.LBB2_6:
0x270: {  	p2 =	por p1, !p2  }
0x271: {  	s0 =	simm.s32 @!p0 $0x1C09;
	s17 =	simm.s32 @!p0 $0x9;
	[sflag:s20] =	ssyncadd.s32 @!p2 $0xFFFFCC00  }
0x272: {  	[spmem:s16], [sflag:s0] =	dma.local @!p0 [hbm:s24], $0x90  }
0x273: {  	_ =	swait.ge @!p0 [sflag:s17], $0x90  }
0x274: {  	s18 =	simm.s32 @p1 $0x0;
	s16 =	simm.s32 @p1 $0x9;
	[sflag:s17] =	ssyncset.done @!p0 $0x0  }
0x275: {  	s0 =	rddreg [dreg:$0x7];
	[sflag:s17] =	ssyncadd.s32 @!p0 $0xFFFFFF70;
	s17 =	simm.s32 @p1 $0x48  }
0x276: {  	[tilespmem:s17], [sflag:$0x9] =	stream.linear.gather @p1 [hbm4b:s0+s18], $0xBD8, $0x38;
	[tilespmem:$0xECC8] =	vst v63  }
0x277: {  	_ =	swait.ge @p1 [sflag:s16], $0xBD8  }
0x278: {  	s20 =	simm.s32 @!p1 $0x48;
	s0 =	simm.s32 @!p1 $0x9;
	[sflag:s16] =	ssyncset.done @p1 $0x0  }
0x279: {  	s17 =	simm.s32 @!p1 $0x0;
	s19 =	rddreg [dreg:$0x6];
	[sflag:s16] =	ssyncadd.s32 @p1 $0xFFFFF428  }
0x27a: {  	[tilespmem:s20], [sflag:$0x9] =	stream.linear.gather @!p1 [hbm4b:s19+s17], $0xC38, $0x38;
	[tilespmem:$0xECC8] =	vst v63  }
0x27b: {  	_ =	swait.ge @!p1 [sflag:s0], $0xC38  }
0x27c: {  	[sflag:s0] =	ssyncset.done @!p1 $0x0  }
0x27d: {  	[sflag:s0] =	ssyncadd.s32 @!p1 $0xFFFFF3C8  }
0x27e: {  	[bflag:$0x0] =	sbarrier.arrive $0xFFFF  }
0x27f: {  	s28 =	sld [smem:$0x7E3];
	_ =	sdelay $0x1  }
0x280: {  	s29 =	sld [smem:$0x7E4]  }
0x281: {  	[tilespmem:s6], [sflag:$0x1] =	stream.indirect.gather [spmem:s1], $0x80, s28, s9, $0xb8;
	[tilespmem:$0xECC8] =	vst v63  }
0x282: {  	s30 =	sld [smem:$0x7E5]  }
0x283: {  	[tilespmem:s4], [sflag:$0x2] =	stream.indirect.gather [spmem:s1], $0x80, s29, s9, $0xb8;
	[tilespmem:$0xECC8] =	vst v63  }
0x284: {  	s31 =	sld [smem:$0x7E6]  }
0x285: {  	[tilespmem:s3], [sflag:$0x3] =	stream.indirect.gather [spmem:s1], $0x80, s30, s9, $0xb8;
	[tilespmem:$0xECC8] =	vst v63  }
0x286: {  	_ = 	snop  }
0x287: {  	[tilespmem:s11], [sflag:$0x4] =	stream.indirect.gather [spmem:s1], $0x80, s31, s9, $0xb8;
	[tilespmem:$0xECC8] =	vst v63  }
0x288: {  	_ =	swait.ge [sflag:s10], $0x3800  }
0x289: {  	[sflag:s10] =	ssyncset.done $0x0  }
0x28a: {  	s20 =	rddreg [dreg:$0x8];
	[sflag:s10] =	ssyncadd.s32 $0xFFFFC800  }
0x28b: {  	[hbm4b:s20+s2] =	stream.linear.scatter [tilespmem:s6], [sflag:$0x5], $0x3800, $0x38;
	[tilespmem:$0xECC8] =	vst v63  }
0x28c: {  	_ =	swait.ge [sflag:s5], $0x3800  }
0x28d: {  	s22 =	sld [smem:$0x7E7]  }
0x28e: {  	[sflag:s5] =	ssyncset.done $0x0  }
0x28f: {  	[sflag:s5] =	ssyncadd.s32 $0xFFFFC800  }
0x290: {  	[tilespmem:s6], [sflag:$0x1] =	stream.indirect.gather [spmem:s1], $0x80, s22, s9, $0xb8;
	[tilespmem:$0xECC8] =	vst v63  }
0x291: {  	_ =	swait.ge [sflag:s12], $0x3800  }
0x292: {  	[sflag:s12] =	ssyncset.done $0x0  }
0x293: {  	s23 =	rddreg [dreg:$0x9];
	[sflag:s12] =	ssyncadd.s32 $0xFFFFC800  }
0x294: {  	[hbm4b:s23+s2] =	stream.linear.scatter [tilespmem:s4], [sflag:$0x6], $0x3800, $0x38;
	[tilespmem:$0xECC8] =	vst v63  }
0x295: {  	_ =	swait.ge [sflag:s7], $0x3800  }
0x296: {  	s24 =	sld [smem:$0x7E8]  }
0x297: {  	[sflag:s7] =	ssyncset.done $0x0  }
0x298: {  	[sflag:s7] =	ssyncadd.s32 $0xFFFFC800  }
0x299: {  	[tilespmem:s4], [sflag:$0x2] =	stream.indirect.gather [spmem:s1], $0x80, s24, s9, $0xb8;
	[tilespmem:$0xECC8] =	vst v63  }
0x29a: {  	_ =	swait.ge [sflag:s13], $0x3800  }
0x29b: {  	[sflag:s13] =	ssyncset.done $0x0  }
0x29c: {  	s25 =	rddreg [dreg:$0xa];
	[sflag:s13] =	ssyncadd.s32 $0xFFFFC800  }
0x29d: {  	[hbm4b:s25+s2] =	stream.linear.scatter [tilespmem:s3], [sflag:$0x7], $0x3800, $0x38;
	[tilespmem:$0xECC8] =	vst v63  }
0x29e: {  	_ =	swait.ge [sflag:s8], $0x3800  }
0x29f: {  	s26 =	sld [smem:$0x7E9]  }
0x2a0: {  	[sflag:s8] =	ssyncset.done $0x0  }
0x2a1: {  	[sflag:s8] =	ssyncadd.s32 $0xFFFFC800  }
0x2a2: {  	[tilespmem:s3], [sflag:$0x3] =	stream.indirect.gather [spmem:s1], $0x80, s26, s9, $0xb8;
	[tilespmem:$0xECC8] =	vst v63  }
0x2a3: {  	_ =	swait.ge [sflag:s15], $0x3800  }
0x2a4: {  	[sflag:s15] =	ssyncset.done $0x0  }
0x2a5: {  	s28 =	rddreg [dreg:$0xb];
	[sflag:s15] =	ssyncadd.s32 $0xFFFFC800  }
0x2a6: {  	[hbm4b:s28+s2] =	stream.linear.scatter [tilespmem:s11], [sflag:$0x8], $0x3800, $0x38;
	[tilespmem:$0xECC8] =	vst v63  }
0x2a7: {  	_ =	swait.ge [sflag:s14], $0x3800  }
0x2a8: {  	s29 =	sld [smem:$0x7EA]  }
0x2a9: {  	[sflag:s14] =	ssyncset.done $0x0  }
0x2aa: {  	[sflag:s14] =	ssyncadd.s32 $0xFFFFC800  }
0x2ab: {  	[tilespmem:s11], [sflag:$0x4] =	stream.indirect.gather [spmem:s1], $0x80, s29, s9, $0xb8;
	[tilespmem:$0xECC8] =	vst v63  }
0x2ac: {  	_ =	swait.ge [sflag:s10], $0x3800  }
0x2ad: {  	[sflag:s10] =	ssyncset.done $0x0  }
0x2ae: {  	s30 =	rddreg [dreg:$0xc];
	[sflag:s10] =	ssyncadd.s32 $0xFFFFC800  }
0x2af: {  	[hbm4b:s30+s2] =	stream.linear.scatter [tilespmem:s6], [sflag:$0x5], $0x3800, $0x38;
	[tilespmem:$0xECC8] =	vst v63  }
0x2b0: {  	_ =	swait.ge [sflag:s5], $0x3800  }
0x2b1: {  	s31 =	sld [smem:$0x7EB]  }
0x2b2: {  	[sflag:s5] =	ssyncset.done $0x0  }
0x2b3: {  	[sflag:s5] =	ssyncadd.s32 $0xFFFFC800  }
0x2b4: {  	[tilespmem:s6], [sflag:$0x1] =	stream.indirect.gather [spmem:s1], $0x80, s31, s9, $0xb8;
	[tilespmem:$0xECC8] =	vst v63  }
0x2b5: {  	_ =	swait.ge [sflag:s12], $0x3800  }
0x2b6: {  	[sflag:s12] =	ssyncset.done $0x0  }
0x2b7: {  	s20 =	rddreg [dreg:$0xd];
	[sflag:s12] =	ssyncadd.s32 $0xFFFFC800  }
0x2b8: {  	[hbm4b:s20+s2] =	stream.linear.scatter [tilespmem:s4], [sflag:$0x6], $0x3800, $0x38;
	[tilespmem:$0xECC8] =	vst v63  }
0x2b9: {  	_ =	swait.ge [sflag:s7], $0x3800  }
0x2ba: {  	s22 =	sld [smem:$0x7EC]  }
0x2bb: {  	[sflag:s7] =	ssyncset.done $0x0  }
0x2bc: {  	[sflag:s7] =	ssyncadd.s32 $0xFFFFC800  }
0x2bd: {  	[tilespmem:s4], [sflag:$0x2] =	stream.indirect.gather [spmem:s1], $0x80, s22, s9, $0xb8;
	[tilespmem:$0xECC8] =	vst v63  }
0x2be: {  	_ =	swait.ge [sflag:s13], $0x3800  }
0x2bf: {  	[sflag:s13] =	ssyncset.done $0x0  }
0x2c0: {  	s23 =	rddreg [dreg:$0xe];
	[sflag:s13] =	ssyncadd.s32 $0xFFFFC800  }
0x2c1: {  	[hbm4b:s23+s2] =	stream.linear.scatter [tilespmem:s3], [sflag:$0x7], $0x3800, $0x38;
	[tilespmem:$0xECC8] =	vst v63  }
0x2c2: {  	_ =	swait.ge [sflag:s8], $0x3800  }
0x2c3: {  	s24 =	sld [smem:$0x7ED]  }
0x2c4: {  	[sflag:s8] =	ssyncset.done $0x0  }
0x2c5: {  	[sflag:s8] =	ssyncadd.s32 $0xFFFFC800  }
0x2c6: {  	[tilespmem:s3], [sflag:$0x3] =	stream.indirect.gather [spmem:s1], $0x80, s24, s9, $0xb8;
	[tilespmem:$0xECC8] =	vst v63  }
0x2c7: {  	_ =	swait.ge [sflag:s15], $0x3800  }
0x2c8: {  	[sflag:s15] =	ssyncset.done $0x0  }
0x2c9: {  	s25 =	rddreg [dreg:$0xf];
	[sflag:s15] =	ssyncadd.s32 $0xFFFFC800  }
0x2ca: {  	[hbm4b:s25+s2] =	stream.linear.scatter [tilespmem:s11], [sflag:$0x8], $0x3800, $0x38;
	[tilespmem:$0xECC8] =	vst v63  }
0x2cb: {  	_ =	swait.ge [sflag:s14], $0x3800  }
0x2cc: {  	s26 =	sld [smem:$0x7EE]  }
0x2cd: {  	[sflag:s14] =	ssyncset.done $0x0  }
0x2ce: {  	[sflag:s14] =	ssyncadd.s32 $0xFFFFC800  }
0x2cf: {  	[tilespmem:s11], [sflag:$0x4] =	stream.indirect.gather [spmem:s1], $0x80, s26, s9, $0xb8;
	[tilespmem:$0xECC8] =	vst v63  }
0x2d0: {  	_ =	swait.ge [sflag:s10], $0x3800  }
0x2d1: {  	[sflag:s10] =	ssyncset.done $0x0  }
0x2d2: {  	s28 =	rddreg [dreg:$0x10];
	[sflag:s10] =	ssyncadd.s32 $0xFFFFC800  }
0x2d3: {  	[hbm4b:s28+s2] =	stream.linear.scatter [tilespmem:s6], [sflag:$0x5], $0x3800, $0x38;
	[tilespmem:$0xECC8] =	vst v63  }
0x2d4: {  	_ =	swait.ge [sflag:s5], $0x3800  }
0x2d5: {  	s29 =	sld [smem:$0x7EF]  }
0x2d6: {  	[sflag:s5] =	ssyncset.done $0x0  }
0x2d7: {  	[sflag:s5] =	ssyncadd.s32 $0xFFFFC800  }
0x2d8: {  	[tilespmem:s6], [sflag:$0x1] =	stream.indirect.gather [spmem:s1], $0x80, s29, s9, $0xb8;
	[tilespmem:$0xECC8] =	vst v63  }
0x2d9: {  	_ =	swait.ge [sflag:s12], $0x3800  }
0x2da: {  	[sflag:s12] =	ssyncset.done $0x0  }
0x2db: {  	s30 =	rddreg [dreg:$0x11];
	[sflag:s12] =	ssyncadd.s32 $0xFFFFC800  }
0x2dc: {  	[hbm4b:s30+s2] =	stream.linear.scatter [tilespmem:s4], [sflag:$0x6], $0x3800, $0x38;
	[tilespmem:$0xECC8] =	vst v63  }
0x2dd: {  	_ =	swait.ge [sflag:s7], $0x3800  }
0x2de: {  	s31 =	sld [smem:$0x7F0]  }
0x2df: {  	[sflag:s7] =	ssyncset.done $0x0  }
0x2e0: {  	[sflag:s7] =	ssyncadd.s32 $0xFFFFC800  }
0x2e1: {  	[tilespmem:s4], [sflag:$0x2] =	stream.indirect.gather [spmem:s1], $0x80, s31, s9, $0xb8;
	[tilespmem:$0xECC8] =	vst v63  }
0x2e2: {  	_ =	swait.ge [sflag:s13], $0x3800  }
0x2e3: {  	[sflag:s13] =	ssyncset.done $0x0  }
0x2e4: {  	s20 =	rddreg [dreg:$0x12];
	[sflag:s13] =	ssyncadd.s32 $0xFFFFC800  }
0x2e5: {  	[hbm4b:s20+s2] =	stream.linear.scatter [tilespmem:s3], [sflag:$0x7], $0x3800, $0x38;
	[tilespmem:$0xECC8] =	vst v63  }
0x2e6: {  	_ =	swait.ge [sflag:s8], $0x3800  }
0x2e7: {  	s22 =	sld [smem:$0x7F1]  }
0x2e8: {  	[sflag:s8] =	ssyncset.done $0x0  }
0x2e9: {  	[sflag:s8] =	ssyncadd.s32 $0xFFFFC800  }
0x2ea: {  	[tilespmem:s3], [sflag:$0x3] =	stream.indirect.gather [spmem:s1], $0x80, s22, s9, $0xb8;
	[tilespmem:$0xECC8] =	vst v63  }
0x2eb: {  	_ =	swait.ge [sflag:s15], $0x3800  }
0x2ec: {  	[sflag:s15] =	ssyncset.done $0x0  }
0x2ed: {  	s23 =	rddreg [dreg:$0x13];
	[sflag:s15] =	ssyncadd.s32 $0xFFFFC800  }
0x2ee: {  	[hbm4b:s23+s2] =	stream.linear.scatter [tilespmem:s11], [sflag:$0x8], $0x3800, $0x38;
	[tilespmem:$0xECC8] =	vst v63  }
0x2ef: {  	_ =	swait.ge [sflag:s14], $0x3800  }
0x2f0: {  	s24 =	sld [smem:$0x7F2]  }
0x2f1: {  	[sflag:s14] =	ssyncset.done $0x0  }
0x2f2: {  	[sflag:s14] =	ssyncadd.s32 $0xFFFFC800  }
0x2f3: {  	[tilespmem:s11], [sflag:$0x4] =	stream.indirect.gather [spmem:s1], $0x80, s24, s9, $0xb8;
	[tilespmem:$0xECC8] =	vst v63  }
0x2f4: {  	_ =	swait.ge [sflag:s10], $0x3800  }
0x2f5: {  	[sflag:s10] =	ssyncset.done $0x0  }
0x2f6: {  	s25 =	rddreg [dreg:$0x14];
	[sflag:s10] =	ssyncadd.s32 $0xFFFFC800  }
0x2f7: {  	[hbm4b:s25+s2] =	stream.linear.scatter [tilespmem:s6], [sflag:$0x5], $0x3800, $0x38;
	[tilespmem:$0xECC8] =	vst v63  }
0x2f8: {  	_ =	swait.ge [sflag:s5], $0x3800  }
0x2f9: {  	s26 =	sld [smem:$0x7F3]  }
0x2fa: {  	[sflag:s5] =	ssyncset.done $0x0  }
0x2fb: {  	[sflag:s5] =	ssyncadd.s32 $0xFFFFC800  }
0x2fc: {  	[tilespmem:s6], [sflag:$0x1] =	stream.indirect.gather [spmem:s1], $0x80, s26, s9, $0xb8;
	[tilespmem:$0xECC8] =	vst v63  }
0x2fd: {  	_ =	swait.ge [sflag:s12], $0x3800  }
0x2fe: {  	[sflag:s12] =	ssyncset.done $0x0  }
0x2ff: {  	s28 =	rddreg [dreg:$0x15];
	[sflag:s12] =	ssyncadd.s32 $0xFFFFC800  }
0x300: {  	[hbm4b:s28+s2] =	stream.linear.scatter [tilespmem:s4], [sflag:$0x6], $0x3800, $0x38;
	[tilespmem:$0xECC8] =	vst v63  }
0x301: {  	_ =	swait.ge [sflag:s7], $0x3800  }
0x302: {  	s29 =	sld [smem:$0x7F4]  }
0x303: {  	[sflag:s7] =	ssyncset.done $0x0  }
0x304: {  	[sflag:s7] =	ssyncadd.s32 $0xFFFFC800  }
0x305: {  	[tilespmem:s4], [sflag:$0x2] =	stream.indirect.gather [spmem:s1], $0x80, s29, s9, $0xb8;
	[tilespmem:$0xECC8] =	vst v63  }
0x306: {  	_ =	swait.ge [sflag:s13], $0x3800  }
0x307: {  	[sflag:s13] =	ssyncset.done $0x0  }
0x308: {  	s30 =	rddreg [dreg:$0x16];
	[sflag:s13] =	ssyncadd.s32 $0xFFFFC800  }
0x309: {  	[hbm4b:s30+s2] =	stream.linear.scatter [tilespmem:s3], [sflag:$0x7], $0x3800, $0x38;
	[tilespmem:$0xECC8] =	vst v63  }
0x30a: {  	_ =	swait.ge [sflag:s8], $0x3800  }
0x30b: {  	s31 =	sld [smem:$0x7F5]  }
0x30c: {  	[sflag:s8] =	ssyncset.done $0x0  }
0x30d: {  	[sflag:s8] =	ssyncadd.s32 $0xFFFFC800  }
0x30e: {  	[tilespmem:s3], [sflag:$0x3] =	stream.indirect.gather [spmem:s1], $0x80, s31, s9, $0xb8;
	[tilespmem:$0xECC8] =	vst v63  }
0x30f: {  	_ =	swait.ge [sflag:s15], $0x3800  }
0x310: {  	[sflag:s15] =	ssyncset.done $0x0  }
0x311: {  	s20 =	rddreg [dreg:$0x17];
	[sflag:s15] =	ssyncadd.s32 $0xFFFFC800  }
0x312: {  	[hbm4b:s20+s2] =	stream.linear.scatter [tilespmem:s11], [sflag:$0x8], $0x3800, $0x38;
	[tilespmem:$0xECC8] =	vst v63  }
0x313: {  	_ =	swait.ge [sflag:s14], $0x3800  }
0x314: {  	s22 =	sld [smem:$0x7F6]  }
0x315: {  	[sflag:s14] =	ssyncset.done $0x0  }
0x316: {  	[sflag:s14] =	ssyncadd.s32 $0xFFFFC800  }
0x317: {  	[tilespmem:s11], [sflag:$0x4] =	stream.indirect.gather [spmem:s1], $0x80, s22, s9, $0xb8;
	[tilespmem:$0xECC8] =	vst v63  }
0x318: {  	_ =	swait.ge [sflag:s10], $0x3800  }
0x319: {  	[sflag:s10] =	ssyncset.done $0x0  }
0x31a: {  	s23 =	rddreg [dreg:$0x18];
	[sflag:s10] =	ssyncadd.s32 $0xFFFFC800  }
0x31b: {  	[hbm4b:s23+s2] =	stream.linear.scatter [tilespmem:s6], [sflag:$0x5], $0x3800, $0x38;
	[tilespmem:$0xECC8] =	vst v63  }
0x31c: {  	_ =	swait.ge [sflag:s5], $0x3800  }
0x31d: {  	s24 =	sld [smem:$0x7F7]  }
0x31e: {  	[sflag:s5] =	ssyncset.done $0x0  }
0x31f: {  	[sflag:s5] =	ssyncadd.s32 $0xFFFFC800  }
0x320: {  	[tilespmem:s6], [sflag:$0x1] =	stream.indirect.gather [spmem:s1], $0x80, s24, s9, $0xb8;
	[tilespmem:$0xECC8] =	vst v63  }
0x321: {  	_ =	swait.ge [sflag:s12], $0x3800  }
0x322: {  	[sflag:s12] =	ssyncset.done $0x0  }
0x323: {  	s25 =	rddreg [dreg:$0x19];
	[sflag:s12] =	ssyncadd.s32 $0xFFFFC800  }
0x324: {  	[hbm4b:s25+s2] =	stream.linear.scatter [tilespmem:s4], [sflag:$0x6], $0x3800, $0x38;
	[tilespmem:$0xECC8] =	vst v63  }
0x325: {  	_ =	swait.ge [sflag:s7], $0x3800  }
0x326: {  	s26 =	sld [smem:$0x7F8]  }
0x327: {  	[sflag:s7] =	ssyncset.done $0x0  }
0x328: {  	[sflag:s7] =	ssyncadd.s32 $0xFFFFC800  }
0x329: {  	[tilespmem:s4], [sflag:$0x2] =	stream.indirect.gather [spmem:s1], $0x80, s26, s9, $0xb8;
	[tilespmem:$0xECC8] =	vst v63  }
0x32a: {  	_ =	swait.ge [sflag:s13], $0x3800  }
0x32b: {  	[sflag:s13] =	ssyncset.done $0x0  }
0x32c: {  	s28 =	rddreg [dreg:$0x1a];
	[sflag:s13] =	ssyncadd.s32 $0xFFFFC800  }
0x32d: {  	[hbm4b:s28+s2] =	stream.linear.scatter [tilespmem:s3], [sflag:$0x7], $0x3800, $0x38;
	[tilespmem:$0xECC8] =	vst v63  }
0x32e: {  	_ =	swait.ge [sflag:s8], $0x3800  }
0x32f: {  	s29 =	sld [smem:$0x7F9]  }
0x330: {  	[sflag:s8] =	ssyncset.done $0x0  }
0x331: {  	[sflag:s8] =	ssyncadd.s32 $0xFFFFC800  }
0x332: {  	[tilespmem:s3], [sflag:$0x3] =	stream.indirect.gather [spmem:s1], $0x80, s29, s9, $0xb8;
	[tilespmem:$0xECC8] =	vst v63  }
0x333: {  	_ =	swait.ge [sflag:s15], $0x3800  }
0x334: {  	[sflag:s15] =	ssyncset.done $0x0  }
0x335: {  	s30 =	rddreg [dreg:$0x1b];
	[sflag:s15] =	ssyncadd.s32 $0xFFFFC800  }
0x336: {  	[hbm4b:s30+s2] =	stream.linear.scatter [tilespmem:s11], [sflag:$0x8], $0x3800, $0x38;
	[tilespmem:$0xECC8] =	vst v63  }
0x337: {  	_ =	swait.ge [sflag:s14], $0x3800  }
0x338: {  	s31 =	sld [smem:$0x7FA]  }
0x339: {  	[sflag:s14] =	ssyncset.done $0x0  }
0x33a: {  	[sflag:s14] =	ssyncadd.s32 $0xFFFFC800  }
0x33b: {  	[tilespmem:s11], [sflag:$0x4] =	stream.indirect.gather [spmem:s1], $0x80, s31, s9, $0xb8;
	[tilespmem:$0xECC8] =	vst v63  }
0x33c: {  	_ =	swait.ge [sflag:s10], $0x3800  }
0x33d: {  	[sflag:s10] =	ssyncset.done $0x0  }
0x33e: {  	s20 =	rddreg [dreg:$0x1c];
	[sflag:s10] =	ssyncadd.s32 $0xFFFFC800  }
0x33f: {  	[hbm4b:s20+s2] =	stream.linear.scatter [tilespmem:s6], [sflag:$0x5], $0x3800, $0x38;
	[tilespmem:$0xECC8] =	vst v63  }
0x340: {  	_ =	swait.ge [sflag:s5], $0x3800  }
0x341: {  	s22 =	sld [smem:$0x7FB]  }
0x342: {  	[sflag:s5] =	ssyncset.done $0x0  }
0x343: {  	[sflag:s5] =	ssyncadd.s32 $0xFFFFC800  }
0x344: {  	[tilespmem:s6], [sflag:$0x1] =	stream.indirect.gather [spmem:s1], $0x80, s22, s9, $0xb8;
	[tilespmem:$0xECC8] =	vst v63  }
0x345: {  	_ =	swait.ge [sflag:s12], $0x3800  }
0x346: {  	[sflag:s12] =	ssyncset.done $0x0  }
0x347: {  	s23 =	rddreg [dreg:$0x1d];
	[sflag:s12] =	ssyncadd.s32 $0xFFFFC800  }
0x348: {  	[hbm4b:s23+s2] =	stream.linear.scatter [tilespmem:s4], [sflag:$0x6], $0x3800, $0x38;
	[tilespmem:$0xECC8] =	vst v63  }
0x349: {  	_ =	swait.ge [sflag:s7], $0x3800  }
0x34a: {  	s24 =	sld [smem:$0x7FC]  }
0x34b: {  	[sflag:s7] =	ssyncset.done $0x0  }
0x34c: {  	[sflag:s7] =	ssyncadd.s32 $0xFFFFC800  }
0x34d: {  	[tilespmem:s4], [sflag:$0x2] =	stream.indirect.gather [spmem:s1], $0x80, s24, s9, $0xb8;
	[tilespmem:$0xECC8] =	vst v63  }
0x34e: {  	_ =	swait.ge [sflag:s13], $0x3800  }
0x34f: {  	[sflag:s13] =	ssyncset.done $0x0  }
0x350: {  	s25 =	rddreg [dreg:$0x1e];
	[sflag:s13] =	ssyncadd.s32 $0xFFFFC800  }
0x351: {  	[hbm4b:s25+s2] =	stream.linear.scatter [tilespmem:s3], [sflag:$0x7], $0x3800, $0x38;
	[tilespmem:$0xECC8] =	vst v63  }
0x352: {  	_ =	swait.ge [sflag:s8], $0x3800  }
0x353: {  	s26 =	sld [smem:$0x7FD]  }
0x354: {  	[sflag:s8] =	ssyncset.done $0x0  }
0x355: {  	[sflag:s8] =	ssyncadd.s32 $0xFFFFC800  }
0x356: {  	[tilespmem:s3], [sflag:$0x3] =	stream.indirect.gather [spmem:s1], $0x80, s26, s9, $0xb8;
	[tilespmem:$0xECC8] =	vst v63  }
0x357: {  	_ =	swait.ge [sflag:s15], $0x3800  }
0x358: {  	[sflag:s15] =	ssyncset.done $0x0  }
0x359: {  	s28 =	rddreg [dreg:$0x1f];
	[sflag:s15] =	ssyncadd.s32 $0xFFFFC800  }
0x35a: {  	[hbm4b:s28+s2] =	stream.linear.scatter [tilespmem:s11], [sflag:$0x8], $0x3800, $0x38;
	[tilespmem:$0xECC8] =	vst v63  }
0x35b: {  	_ =	swait.ge [sflag:s10], $0x3800  }
0x35c: {  	s29 =	sld [smem:$0x7DE]  }
0x35d: {  	[sflag:s10] =	ssyncset.done $0x0  }
0x35e: {  	[sflag:s10] =	ssyncadd.s32 $0xFFFFC800  }
0x35f: {  	[hbm4b:s29+s2] =	stream.linear.scatter [tilespmem:s6], [sflag:$0x5], $0x3800, $0x38;
	[tilespmem:$0xECC8] =	vst v63  }
0x360: {  	_ =	swait.ge [sflag:s12], $0x3800  }
0x361: {  	s30 =	sld [smem:$0x7DF]  }
0x362: {  	[sflag:s12] =	ssyncset.done $0x0  }
0x363: {  	[sflag:s12] =	ssyncadd.s32 $0xFFFFC800  }
0x364: {  	[hbm4b:s30+s2] =	stream.linear.scatter [tilespmem:s4], [sflag:$0x6], $0x3800, $0x38;
	[tilespmem:$0xECC8] =	vst v63  }
0x365: {  	_ =	swait.ge [sflag:s13], $0x3800  }
0x366: {  	s31 =	sld [smem:$0x7E0]  }
0x367: {  	[sflag:s13] =	ssyncset.done $0x0  }
0x368: {  	[sflag:s13] =	ssyncadd.s32 $0xFFFFC800  }
0x369: {  	[hbm4b:s31+s2] =	stream.linear.scatter [tilespmem:s3], [sflag:$0x7], $0x3800, $0x38;
	[tilespmem:$0xECC8] =	vst v63  }
0x36a: {  	_ =	swait.ge [sflag:s14], $0x3800  }
0x36b: {  	[sflag:s14] =	ssyncset.done $0x0  }
0x36c: {  	[sflag:s14] =	ssyncadd.s32 $0xFFFFC800  }
0x36d: {  	_ =	swait.ge [sflag:s5], $0x3800  }
0x36e: {  	[sflag:s5] =	ssyncset.done $0x0  }
0x36f: {  	[sflag:s5] =	ssyncadd.s32 $0xFFFFC800  }
0x370: {  	_ =	swait.ge [sflag:s7], $0x3800  }
0x371: {  	[sflag:s7] =	ssyncset.done $0x0  }
0x372: {  	[sflag:s7] =	ssyncadd.s32 $0xFFFFC800  }
0x373: {  	_ =	swait.ge [sflag:s8], $0x3800  }
0x374: {  	s4 =	simm.s32 @p1 $0x8;
	s2 =	simm.s32 @p1 $0x44C8;
	[sflag:s8] =	ssyncset.done $0x0  }
0x375: {  	s3 =	simm.s32 @p1 $0x2;
	s5 =	simm.s32 @p1 $0xC18;
	[sflag:s8] =	ssyncadd.s32 $0xFFFFC800  }
0x376: {  	[tilespmem:s2], [sflag:$0x2] =	stream.indirect.gather @p1 [spmem:s1], $0x80, s5, s4, $0xb8;
	[tilespmem:$0xECC8] =	vst v63  }
0x377: {  	_ =	swait.ge @p1 [sflag:s3], $0x400  }
0x378: {  	s4 =	sld [smem:$0x7E2]  }
0x379: {  	[sflag:s3] =	ssyncset.done @p1 $0x0  }
0x37a: {  	[sflag:s3] =	ssyncadd.s32 @p1 $0xFFFFFC00  }
0x37b: {  	[hbm4b:s4+s18] =	stream.linear.scatter @p1 [tilespmem:s2], [sflag:$0x9], $0x400, $0x38;
	[tilespmem:$0xECC8] =	vst v63  }
0x37c: {  	_ =	swait.ge @p1 [sflag:s16], $0x400  }
0x37d: {  	s5 =	simm.s32 @!p1 $0xC18;
	s3 =	simm.s32 @!p1 $0x1;
	[sflag:s16] =	ssyncset.done @p1 $0x0  }
0x37e: {  	s2 =	simm.s32 @!p1 $0xCC8;
	s4 =	simm.s32 @!p1 $0x68;
	[sflag:s16] =	ssyncadd.s32 @p1 $0xFFFFFC00  }
0x37f: {  	[tilespmem:s2], [sflag:$0x1] =	stream.indirect.gather @!p1 [spmem:s1], $0x80, s5, s4, $0xb8;
	[tilespmem:$0xECC8] =	vst v63  }
0x380: {  	_ =	swait.ge @!p1 [sflag:s3], $0x3400  }
0x381: {  	s1 =	sld [smem:$0x7E1]  }
0x382: {  	[sflag:s3] =	ssyncset.done @!p1 $0x0  }
0x383: {  	[sflag:s3] =	ssyncadd.s32 @!p1 $0xFFFFCC00  }
0x384: {  	[hbm4b:s1+s17] =	stream.linear.scatter @!p1 [tilespmem:s2], [sflag:$0x9], $0x3400, $0x38;
	[tilespmem:$0xECC8] =	vst v63  }
0x385: {  	_ =	swait.ge @!p1 [sflag:s0], $0x3400  }
0x386: {  	[sflag:s0] =	ssyncset.done @!p1 $0x0  }
0x387: {  	[sflag:s0] =	ssyncadd.s32 @!p1 $0xFFFFCC00  }
0x388: {  	_ =	sfence.sel $0x180000  }
0x389: {  	[bflag:$0x0] =	sbarrier.arrive $0xFFFF  }
0x38a: {  	_ =	strace $0x90000047  }
0x38b: {  	s0 =	sadd.s32 @!p0 $0x100000, s21;
	[bflag:$0x2] =	sbarrier.arrive $0xFFFF  }
0x38c: {  	[sflag:s0] =	ssyncadd.tile.s32 @!p0 $0x1;
	_ =	shalt  }
.LBB2_1:
.Ltmp3:
0x38d: {  	(pc) =	sbr.rel .LBB2_6-.Ltmp3, $2  }
0x38e: {  	_ =	sdelay $0x2  }
0x38f: {  	_ = 	snop  }
.LBB2_3:
.Ltmp4:
0x390: {  	(pc) =	sbr.rel .LBB2_6-.Ltmp4, $2  }
0x391: {  	_ =	sdelay $0x2  }
0x392: {  	s21 =	rddreg [dreg:$0x4]  }
.Lfunc_end2:
_tile_overlayer_lowered:
.L_overlay_start_2:
0x393: {  	(tag) =	ssettag $0x2  }
0x394: {  	s0 =	rddreg [dreg:$0x0];
	s2 =	stileid.u32  }
0x395: {  	s1 =	rddreg [dreg:$0x1];
	p0 =	sne.s32 s2, $0x0  }
0x396: {  	s3 =	rddreg [dreg:$0x2];
	[bflag:$0x3] =	sbarrier.arrive $0xFFFF;
	s2 =	simm.s32 @!p0 $0x1C09  }
0x397: {  	[timem:s3], [sflag:s2] =	dma.local @!p0 [hbm:s0], s1  }
0x398: {  	s0 =	simm.s32 @!p0 $0x9  }
0x399: {  	_ =	swait.ge @!p0 [sflag:s0], s1  }
0x39a: {  	s1 =	ssub.s32 @!p0 $0x0, s1;
	[sflag:s0] =	ssyncset.done @!p0 $0x0  }
0x39b: {  	[sflag:s0] =	ssyncadd.s32 @!p0 s1  }
0x39c: {  	[bflag:$0x3] =	sbarrier.arrive $0xFFFF  }
0x39d: {  	_ =	shalt  }

</sc_bundles>
